<compile_context>
chip_gen: v7x
topology: tpu7x:2x2x1
jax: 0.10.2.dev20260603
libtpu: 0.0.44.dev20260713+nightly
codegen_flags: <defaults>
</compile_context>

<pallas_src>
import functools

import jax
import jax.numpy as jnp
from jax import lax
from jax.experimental import pallas as pl
from jax.experimental.pallas import tpu as pltpu
from jax.experimental.pallas import tpu_sc as plsc

D_MODEL = 64
LN_EPS = 1e-5
SEQ = 128
BATCH = 4096
NROWS = SEQ * BATCH

NC = 2
NS = 16
L = 16
NW = NC * NS

ROWS_PER_W = NROWS // NW
CHUNK = 128
NCHUNKS = ROWS_PER_W // CHUNK
NSEG = D_MODEL // L
NBUF = 3
S_PER_W = ROWS_PER_W // BATCH
CHUNKS_PER_S = BATCH // CHUNK


def _lane_sum(v):
    lanes = lax.iota(jnp.int32, L)
    dnums = lax.GatherDimensionNumbers(
        offset_dims=(), collapsed_slice_dims=(0,), start_index_map=(0,)
    )
    for sh in (8, 4, 2, 1):
        perm = lax.gather(
            v, (lanes ^ sh)[:, None], dnums, (1,),
            mode=lax.GatherScatterMode.PROMISE_IN_BOUNDS,
        )
        v = v + perm
    return v


_mesh = plsc.VectorSubcoreMesh(
    core_axis_name="c", subcore_axis_name="s", num_cores=NC, num_subcores=NS
)


@functools.partial(
    pl.kernel,
    out_type=jax.ShapeDtypeStruct((NROWS // 2, 2 * D_MODEL), jnp.float32),
    mesh=_mesh,
    scratch_types=[
        pltpu.VMEM((ROWS_PER_W,), jnp.int32),
        pltpu.VMEM((NBUF, CHUNK, 2 * D_MODEL), jnp.float32),
        pltpu.VMEM((NBUF, CHUNK // 2, 2 * D_MODEL), jnp.float32),
        pltpu.VMEM((S_PER_W * D_MODEL,), jnp.float32),
        pltpu.VMEM((D_MODEL,), jnp.float32),
        pltpu.VMEM((D_MODEL,), jnp.float32),
        pltpu.SemaphoreType.DMA((NBUF,)),
        pltpu.SemaphoreType.DMA((NBUF,)),
    ],
    compiler_params=pltpu.CompilerParams(
        use_tc_tiling_on_sc=False, skip_device_barrier=True
    ),
)
def _sc_embed_ln(x_hbm, tab_hbm, pos_hbm, gamma_hbm, beta_hbm, out_hbm,
                 idx_v, rows_v, ostage_v, pos_v, gamma_v, beta_v, gsem, osem):
    wid = lax.axis_index("s") * NC + lax.axis_index("c")
    s0 = wid * S_PER_W
    base = wid * ROWS_PER_W

    pltpu.sync_copy(x_hbm.at[pl.ds(base, ROWS_PER_W)], idx_v)
    pltpu.sync_copy(pos_hbm.at[pl.ds(s0 * D_MODEL, S_PER_W * D_MODEL)], pos_v)
    pltpu.sync_copy(gamma_hbm, gamma_v)
    pltpu.sync_copy(beta_hbm, beta_v)
    gseg = [gamma_v[pl.ds(k * L, L)] for k in range(NSEG)]
    bseg = [beta_v[pl.ds(k * L, L)] for k in range(NSEG)]

    def sloc(c):
        return lax.shift_right_logical(c, 5)

    def boff(c):
        return (c & (CHUNKS_PER_S - 1)) * CHUNK

    def start_gather(c, t):
        return pltpu.async_copy(
            tab_hbm.at[idx_v.at[pl.ds(c * CHUNK, CHUNK)]],
            rows_v.at[t], gsem.at[t])

    def out_copy_descr(c, t):
        return pltpu.make_async_copy(
            ostage_v.at[t],
            out_hbm.at[pl.ds((base + c * CHUNK) // 2, CHUNK // 2)],
            osem.at[t])

    start_gather(0, 0)
    start_gather(1, 1)
    start_gather(2, 2)

    def process(c, t):
        pltpu.make_async_copy(
            tab_hbm.at[idx_v.at[pl.ds(c * CHUNK, CHUNK)]],
            rows_v.at[t], gsem.at[t]).wait()
        sl = sloc(c)
        pseg = [pos_v[pl.ds(sl * D_MODEL + k * L, L)] for k in range(NSEG)]

        @plsc.parallel_loop(0, CHUNK, 1, unroll=4)
        def row_body(r):
            e = [rows_v[t, r, pl.ds(k * L, L)] * 8.0 + pseg[k]
                 for k in range(NSEG)]
            ssum = (e[0] + e[1]) + (e[2] + e[3])
            ssq = ((e[0] * e[0] + e[1] * e[1])
                   + (e[2] * e[2] + e[3] * e[3]))
            mean_v = _lane_sum(ssum) * (1.0 / D_MODEL)
            var_v = _lane_sum(ssq) * (1.0 / D_MODEL) - mean_v * mean_v
            a_v = var_v + LN_EPS
            yi = jnp.full((L,), 0x5F3759DF, jnp.int32) - lax.shift_right_logical(
                lax.bitcast_convert_type(a_v, jnp.int32), 1
            )
            y = lax.bitcast_convert_type(yi, jnp.float32)
            h_v = a_v * -0.5
            y = y * (y * y * h_v + 1.5)
            y = y * (y * y * h_v + 1.5)
            jr = lax.shift_right_logical(r, 1)
            half = (r & 1) * D_MODEL
            for k in range(NSEG):
                rg = y * gseg[k]
                ob = bseg[k] - mean_v * rg
                ostage_v[t, jr, pl.ds(half + k * L, L)] = e[k] * rg + ob
            return None

        out_copy_descr(c, t).start()

    def chunk_body(c, carry):
        t = c % NBUF
        process(c, t)
        @pl.when(c < NCHUNKS - NBUF)
        def _():
            out_copy_descr(c, t).wait()
            start_gather(c + NBUF, t)
        return carry

    lax.fori_loop(0, NCHUNKS, chunk_body, 0)

    for c in (NCHUNKS - 3, NCHUNKS - 2, NCHUNKS - 1):
        out_copy_descr(c, c % NBUF).wait()


def kernel(x, token_table, pos_table, ln_gamma, ln_beta):
    x_flat = x.reshape(NROWS).astype(jnp.int32)
    tab_pad = jnp.pad(token_table, ((0, 0), (0, D_MODEL)))
    out = _sc_embed_ln(x_flat, tab_pad, pos_table.reshape(-1),
                       ln_gamma, ln_beta)
    return out.reshape(SEQ, BATCH, D_MODEL)

# --- scband reference (transcript-rebuilt; emitter-appended) ---
"""Pipeline reference for scband-transformer-embedding-17927193493922 (READ-ONLY COPY).

The authoritative reference and input builder live on the scoring server;
editing this copy changes nothing except your own understanding.
"""

import jax, jax.numpy as jnp
import numpy as np

D_VOCAB = 1000000
D_MODEL = 64
MAX_LEN = 128
SEQ = 128
BATCH = 4096
LN_EPS = 1e-5


def _make_pos_table():
    pos = np.arange(0.0, MAX_LEN, dtype=np.float32)[:, None]
    div = np.exp(-np.arange(0, D_MODEL, 2, dtype=np.float32) / D_MODEL * np.log(10000.0))
    tab = np.zeros((MAX_LEN, D_MODEL), dtype=np.float32)
    tab[:, 0::2] = np.sin(div * pos)
    tab[:, 1::2] = np.cos(div * pos)
    return jnp.asarray(tab)


def setup_inputs(seed: int = 0) -> dict:
    key = jax.random.key(seed)
    k_x, k_tab = jax.random.split(key, 2)
    x = jax.random.randint(k_x, (SEQ, BATCH), 0, D_VOCAB, dtype=jnp.int64 if jax.config.jax_enable_x64 else jnp.int32)
    token_table = jax.random.normal(k_tab, (D_VOCAB, D_MODEL), dtype=jnp.float32) * 0.02
    token_table = token_table.at[0].set(0.0)  # padding_idx=0
    pos_table = _make_pos_table()
    ln_gamma = jnp.ones((D_MODEL,), dtype=jnp.float32)
    ln_beta = jnp.zeros((D_MODEL,), dtype=jnp.float32)
    return {"x": x, "token_table": token_table, "pos_table": pos_table, "ln_gamma": ln_gamma, "ln_beta": ln_beta}


def reference(x, token_table, pos_table, ln_gamma, ln_beta):
    # eval mode: Dropout and WordDropout are identity
    embed_scale = jnp.sqrt(jnp.asarray(D_MODEL, dtype=jnp.float32))
    emb = embed_scale * jnp.take(token_table, x, axis=0)          # [S, B, d]
    position_ids = jnp.arange(x.shape[0])[:, None]                 # [S, 1]
    pos_emb = jnp.take(pos_table, position_ids, axis=0)           # [S, 1, d]
    emb = emb + pos_emb
    mean = jnp.mean(emb, axis=-1, keepdims=True)
    var = jnp.var(emb, axis=-1, keepdims=True)
    out = (emb - mean) / jnp.sqrt(var + LN_EPS) * ln_gamma + ln_beta
    return out

if __name__ == "__main__":
    import jax
    _d = setup_inputs()
    print(jax.jit(kernel)(*tuple(_d.values())))

</pallas_src>

<mosaic_0001>
#map = affine_map<(d0, d1) -> (0)>
#map1 = affine_map<(d0, d1) -> (0, 0)>
module attributes {stable_mosaic.version = 14 : i64} {
  func.func @_sc_embed_ln(%arg0: i32, %arg1: i32, %arg2: memref<524288xi32, #tpu.memory_space<hbm>>, %arg3: memref<1000000x128xf32, #tpu.memory_space<hbm>>, %arg4: memref<8192xf32, #tpu.memory_space<hbm>>, %arg5: memref<64xf32, #tpu.memory_space<hbm>>, %arg6: memref<64xf32, #tpu.memory_space<hbm>>, %arg7: memref<262144x128xf32, #tpu.memory_space<hbm>>, %arg8: memref<16384xi32, #tpu.memory_space<vmem>>, %arg9: memref<3x128x128xf32, #tpu.memory_space<vmem>>, %arg10: memref<3x64x128xf32, #tpu.memory_space<vmem>>, %arg11: memref<256xf32, #tpu.memory_space<vmem>>, %arg12: memref<64xf32, #tpu.memory_space<vmem>>, %arg13: memref<64xf32, #tpu.memory_space<vmem>>, %arg14: memref<3x!tpu.dma_semaphore, #tpu.memory_space<semaphore_mem>>, %arg15: memref<3x!tpu.dma_semaphore, #tpu.memory_space<semaphore_mem>>) attributes {dimension_semantics = [#tpu.dimension_semantics<core_parallel>, #tpu.dimension_semantics<subcore_parallel>], iteration_bounds = array<i64: 2, 16>, scalar_prefetch = 0 : i64, scratch_operands = 8 : i64, tpu.core_type = #tpu.core_type<sc_vector_subcore>, window_params = [{transform_indices = #map}, {transform_indices = #map1}, {transform_indices = #map}, {transform_indices = #map}, {transform_indices = #map}, {transform_indices = #map1}]} {
    %mul3A = arith.constant 2 : i32
    %mul3A_0 = arith.muli %arg1, %mul3A : i32
    %add3A = arith.addi %mul3A_0, %arg0 : i32
    %mul3A_1 = arith.constant 4 : i32
    %mul3A_2 = arith.muli %add3A, %mul3A_1 : i32
    %mul3A_3 = arith.constant 16384 : i32
    %mul3A_4 = arith.muli %add3A, %mul3A_3 : i32
    "tpu.region"() ({
      %run_scoped3A = tpu.sem_alloc : memref<!tpu.dma_semaphore, #tpu.memory_space<semaphore_mem>>
      %dma_start3A_190 = tpu.memref_slice %arg2[%mul3A_4] : memref<524288xi32, #tpu.memory_space<hbm>> -> memref<16384xi32, #tpu.memory_space<hbm>>
      %dma_start3A_191 = tpu.memref_slice %arg2[%mul3A_4] : memref<524288xi32, #tpu.memory_space<hbm>> -> memref<16384xi32, #tpu.memory_space<hbm>>
      tpu.enqueue_dma source(%dma_start3A_191 : memref<16384xi32, #tpu.memory_space<hbm>>) target(%arg8 : memref<16384xi32, #tpu.memory_space<vmem>>) target_semaphore(%run_scoped3A : memref<!tpu.dma_semaphore, #tpu.memory_space<semaphore_mem>>)
      %dma_wait3A_192 = tpu.memref_slice %arg2[%mul3A_4] : memref<524288xi32, #tpu.memory_space<hbm>> -> memref<16384xi32, #tpu.memory_space<hbm>>
      %dma_wait3A_193 = tpu.memref_slice %arg2[%mul3A_4] : memref<524288xi32, #tpu.memory_space<hbm>> -> memref<16384xi32, #tpu.memory_space<hbm>>
      tpu.wait_dma2 semaphore(%run_scoped3A : memref<!tpu.dma_semaphore, #tpu.memory_space<semaphore_mem>>) src(%dma_wait3A_193 : memref<16384xi32, #tpu.memory_space<hbm>>) dst(%arg8 : memref<16384xi32, #tpu.memory_space<vmem>>)
      tpu.yield
    }) : () -> ()
    %mul3A_5 = arith.constant 64 : i32
    %mul3A_6 = arith.muli %mul3A_2, %mul3A_5 : i32
    "tpu.region"() ({
      %run_scoped3A = tpu.sem_alloc : memref<!tpu.dma_semaphore, #tpu.memory_space<semaphore_mem>>
      %dma_start3A_190 = tpu.memref_slice %arg4[%mul3A_6] : memref<8192xf32, #tpu.memory_space<hbm>> -> memref<256xf32, #tpu.memory_space<hbm>>
      %dma_start3A_191 = tpu.memref_slice %arg4[%mul3A_6] : memref<8192xf32, #tpu.memory_space<hbm>> -> memref<256xf32, #tpu.memory_space<hbm>>
      tpu.enqueue_dma source(%dma_start3A_191 : memref<256xf32, #tpu.memory_space<hbm>>) target(%arg11 : memref<256xf32, #tpu.memory_space<vmem>>) target_semaphore(%run_scoped3A : memref<!tpu.dma_semaphore, #tpu.memory_space<semaphore_mem>>)
      %dma_wait3A_192 = tpu.memref_slice %arg4[%mul3A_6] : memref<8192xf32, #tpu.memory_space<hbm>> -> memref<256xf32, #tpu.memory_space<hbm>>
      %dma_wait3A_193 = tpu.memref_slice %arg4[%mul3A_6] : memref<8192xf32, #tpu.memory_space<hbm>> -> memref<256xf32, #tpu.memory_space<hbm>>
      tpu.wait_dma2 semaphore(%run_scoped3A : memref<!tpu.dma_semaphore, #tpu.memory_space<semaphore_mem>>) src(%dma_wait3A_193 : memref<256xf32, #tpu.memory_space<hbm>>) dst(%arg11 : memref<256xf32, #tpu.memory_space<vmem>>)
      tpu.yield
    }) : () -> ()
    "tpu.region"() ({
      %run_scoped3A = tpu.sem_alloc : memref<!tpu.dma_semaphore, #tpu.memory_space<semaphore_mem>>
      tpu.enqueue_dma source(%arg5 : memref<64xf32, #tpu.memory_space<hbm>>) target(%arg12 : memref<64xf32, #tpu.memory_space<vmem>>) target_semaphore(%run_scoped3A : memref<!tpu.dma_semaphore, #tpu.memory_space<semaphore_mem>>)
      tpu.wait_dma2 semaphore(%run_scoped3A : memref<!tpu.dma_semaphore, #tpu.memory_space<semaphore_mem>>) src(%arg5 : memref<64xf32, #tpu.memory_space<hbm>>) dst(%arg12 : memref<64xf32, #tpu.memory_space<vmem>>)
      tpu.yield
    }) : () -> ()
    "tpu.region"() ({
      %run_scoped3A = tpu.sem_alloc : memref<!tpu.dma_semaphore, #tpu.memory_space<semaphore_mem>>
      tpu.enqueue_dma source(%arg6 : memref<64xf32, #tpu.memory_space<hbm>>) target(%arg13 : memref<64xf32, #tpu.memory_space<vmem>>) target_semaphore(%run_scoped3A : memref<!tpu.dma_semaphore, #tpu.memory_space<semaphore_mem>>)
      tpu.wait_dma2 semaphore(%run_scoped3A : memref<!tpu.dma_semaphore, #tpu.memory_space<semaphore_mem>>) src(%arg6 : memref<64xf32, #tpu.memory_space<hbm>>) dst(%arg13 : memref<64xf32, #tpu.memory_space<vmem>>)
      tpu.yield
    }) : () -> ()
    %get3A = arith.constant 0 : index
    %get3A_7 = tpu.vector_load %arg12[%get3A] {strides = array<i32>} : memref<64xf32, #tpu.memory_space<vmem>>, vector<16xf32>,
    %get3A_8 = vector.shape_cast %get3A_7 : vector<16xf32> to vector<16xf32>
    %get3A_9 = arith.constant 16 : index
    %get3A_10 = tpu.vector_load %arg12[%get3A_9] {strides = array<i32>} : memref<64xf32, #tpu.memory_space<vmem>>, vector<16xf32>,
    %get3A_11 = vector.shape_cast %get3A_10 : vector<16xf32> to vector<16xf32>
    %get3A_12 = arith.constant 32 : index
    %get3A_13 = tpu.vector_load %arg12[%get3A_12] {strides = array<i32>} : memref<64xf32, #tpu.memory_space<vmem>>, vector<16xf32>,
    %get3A_14 = vector.shape_cast %get3A_13 : vector<16xf32> to vector<16xf32>
    %get3A_15 = arith.constant 48 : index
    %get3A_16 = tpu.vector_load %arg12[%get3A_15] {strides = array<i32>} : memref<64xf32, #tpu.memory_space<vmem>>, vector<16xf32>,
    %get3A_17 = vector.shape_cast %get3A_16 : vector<16xf32> to vector<16xf32>
    %get3A_18 = arith.constant 0 : index
    %get3A_19 = tpu.vector_load %arg13[%get3A_18] {strides = array<i32>} : memref<64xf32, #tpu.memory_space<vmem>>, vector<16xf32>,
    %get3A_20 = vector.shape_cast %get3A_19 : vector<16xf32> to vector<16xf32>
    %get3A_21 = arith.constant 16 : index
    %get3A_22 = tpu.vector_load %arg13[%get3A_21] {strides = array<i32>} : memref<64xf32, #tpu.memory_space<vmem>>, vector<16xf32>,
    %get3A_23 = vector.shape_cast %get3A_22 : vector<16xf32> to vector<16xf32>
    %get3A_24 = arith.constant 32 : index
    %get3A_25 = tpu.vector_load %arg13[%get3A_24] {strides = array<i32>} : memref<64xf32, #tpu.memory_space<vmem>>, vector<16xf32>,
    %get3A_26 = vector.shape_cast %get3A_25 : vector<16xf32> to vector<16xf32>
    %get3A_27 = arith.constant 48 : index
    %get3A_28 = tpu.vector_load %arg13[%get3A_27] {strides = array<i32>} : memref<64xf32, #tpu.memory_space<vmem>>, vector<16xf32>,
    %get3A_29 = vector.shape_cast %get3A_28 : vector<16xf32> to vector<16xf32>
    %dma_start3A = arith.constant 0 : i32
    %dma_start3A_30 = arith.constant 0 : i32
    %dma_start3A_31 = arith.constant 0 : i32
    %dma_start3A_32 = arith.constant 0 : i32
    %dma_start3A_33 = tpu.memref_slice %arg9[%dma_start3A, %dma_start3A_31, %dma_start3A_32] : memref<3x128x128xf32, #tpu.memory_space<vmem>> -> memref<1x128x128xf32, #tpu.memory_space<vmem>>
    %dma_start3A_34 = tpu.memref_squeeze %dma_start3A_33 : memref<1x128x128xf32, #tpu.memory_space<vmem>> -> memref<128x128xf32, #tpu.memory_space<vmem>>
    %dma_start3A_35 = arith.constant 0 : i32
    %dma_start3A_36 = tpu.memref_slice %arg8[%dma_start3A_35] : memref<16384xi32, #tpu.memory_space<vmem>> -> memref<128xi32, #tpu.memory_space<vmem>>
    %dma_start3A_37 = arith.constant 0 : i32
    %dma_start3A_38 = arith.constant 0 : i32
    %dma_start3A_39 = tpu.memref_slice %arg3[%dma_start3A_37, %dma_start3A_38] : memref<1000000x128xf32, #tpu.memory_space<hbm>> -> memref<1000000x128xf32, #tpu.memory_space<hbm>>
    %dma_start3A_40 = tpu.memref_slice %arg14[%dma_start3A_30] : memref<3x!tpu.dma_semaphore, #tpu.memory_space<semaphore_mem>> -> memref<1x!tpu.dma_semaphore, #tpu.memory_space<semaphore_mem>>
    %dma_start3A_41 = tpu.memref_squeeze %dma_start3A_40 : memref<1x!tpu.dma_semaphore, #tpu.memory_space<semaphore_mem>> -> memref<!tpu.dma_semaphore, #tpu.memory_space<semaphore_mem>>
    tpu.enqueue_indirect_dma source(%dma_start3A_39 : memref<1000000x128xf32, #tpu.memory_space<hbm>>) target(%dma_start3A_34 : memref<128x128xf32, #tpu.memory_space<vmem>>) offsets(%dma_start3A_36 : memref<128xi32, #tpu.memory_space<vmem>>) semaphore(%dma_start3A_41 : memref<!tpu.dma_semaphore, #tpu.memory_space<semaphore_mem>>)
    %dma_start3A_42 = arith.constant 1 : i32
    %dma_start3A_43 = arith.constant 1 : i32
    %dma_start3A_44 = arith.constant 0 : i32
    %dma_start3A_45 = arith.constant 0 : i32
    %dma_start3A_46 = tpu.memref_slice %arg9[%dma_start3A_42, %dma_start3A_44, %dma_start3A_45] : memref<3x128x128xf32, #tpu.memory_space<vmem>> -> memref<1x128x128xf32, #tpu.memory_space<vmem>>
    %dma_start3A_47 = tpu.memref_squeeze %dma_start3A_46 : memref<1x128x128xf32, #tpu.memory_space<vmem>> -> memref<128x128xf32, #tpu.memory_space<vmem>>
    %dma_start3A_48 = arith.constant 128 : i32
    %dma_start3A_49 = tpu.memref_slice %arg8[%dma_start3A_48] : memref<16384xi32, #tpu.memory_space<vmem>> -> memref<128xi32, #tpu.memory_space<vmem>>
    %dma_start3A_50 = arith.constant 0 : i32
    %dma_start3A_51 = arith.constant 0 : i32
    %dma_start3A_52 = tpu.memref_slice %arg3[%dma_start3A_50, %dma_start3A_51] : memref<1000000x128xf32, #tpu.memory_space<hbm>> -> memref<1000000x128xf32, #tpu.memory_space<hbm>>
    %dma_start3A_53 = tpu.memref_slice %arg14[%dma_start3A_43] : memref<3x!tpu.dma_semaphore, #tpu.memory_space<semaphore_mem>> -> memref<1x!tpu.dma_semaphore, #tpu.memory_space<semaphore_mem>>
    %dma_start3A_54 = tpu.memref_squeeze %dma_start3A_53 : memref<1x!tpu.dma_semaphore, #tpu.memory_space<semaphore_mem>> -> memref<!tpu.dma_semaphore, #tpu.memory_space<semaphore_mem>>
    tpu.enqueue_indirect_dma source(%dma_start3A_52 : memref<1000000x128xf32, #tpu.memory_space<hbm>>) target(%dma_start3A_47 : memref<128x128xf32, #tpu.memory_space<vmem>>) offsets(%dma_start3A_49 : memref<128xi32, #tpu.memory_space<vmem>>) semaphore(%dma_start3A_54 : memref<!tpu.dma_semaphore, #tpu.memory_space<semaphore_mem>>)
    %dma_start3A_55 = arith.constant 2 : i32
    %dma_start3A_56 = arith.constant 2 : i32
    %dma_start3A_57 = arith.constant 0 : i32
    %dma_start3A_58 = arith.constant 0 : i32
    %dma_start3A_59 = tpu.memref_slice %arg9[%dma_start3A_55, %dma_start3A_57, %dma_start3A_58] : memref<3x128x128xf32, #tpu.memory_space<vmem>> -> memref<1x128x128xf32, #tpu.memory_space<vmem>>
    %dma_start3A_60 = tpu.memref_squeeze %dma_start3A_59 : memref<1x128x128xf32, #tpu.memory_space<vmem>> -> memref<128x128xf32, #tpu.memory_space<vmem>>
    %dma_start3A_61 = arith.constant 256 : i32
    %dma_start3A_62 = tpu.memref_slice %arg8[%dma_start3A_61] : memref<16384xi32, #tpu.memory_space<vmem>> -> memref<128xi32, #tpu.memory_space<vmem>>
    %dma_start3A_63 = arith.constant 0 : i32
    %dma_start3A_64 = arith.constant 0 : i32
    %dma_start3A_65 = tpu.memref_slice %arg3[%dma_start3A_63, %dma_start3A_64] : memref<1000000x128xf32, #tpu.memory_space<hbm>> -> memref<1000000x128xf32, #tpu.memory_space<hbm>>
    %dma_start3A_66 = tpu.memref_slice %arg14[%dma_start3A_56] : memref<3x!tpu.dma_semaphore, #tpu.memory_space<semaphore_mem>> -> memref<1x!tpu.dma_semaphore, #tpu.memory_space<semaphore_mem>>
    %dma_start3A_67 = tpu.memref_squeeze %dma_start3A_66 : memref<1x!tpu.dma_semaphore, #tpu.memory_space<semaphore_mem>> -> memref<!tpu.dma_semaphore, #tpu.memory_space<semaphore_mem>>
    tpu.enqueue_indirect_dma source(%dma_start3A_65 : memref<1000000x128xf32, #tpu.memory_space<hbm>>) target(%dma_start3A_60 : memref<128x128xf32, #tpu.memory_space<vmem>>) offsets(%dma_start3A_62 : memref<128xi32, #tpu.memory_space<vmem>>) semaphore(%dma_start3A_67 : memref<!tpu.dma_semaphore, #tpu.memory_space<semaphore_mem>>)
    %scan3A = arith.constant 0 : i32
    %scan3A_68 = arith.constant 0 : i32
    %scan3A_69 = arith.constant 128 : i32
    %scan3A_70 = arith.addi %scan3A_68, %scan3A_69 : i32
    %scan3A_71 = arith.constant 1 : i32
    scf.for %scan3A_190 = %scan3A_68 to %scan3A_70 step %scan3A_71  : i32 {
      %jit3A_191 = arith.constant 3 : i32
      %eq3A = arith.constant 0 : i32
      %eq3A_192 = arith.cmpi eq, %jit3A_191, %eq3A : i32
      %jit3A_193 = arith.constant 1 : i32
      %select_n3A_194 = arith.select %eq3A_192, %jit3A_193, %jit3A_191 : i32
      %rem3A_195 = arith.remsi %scan3A_190, %select_n3A_194 : i32
      %ne3A_196 = arith.constant 0 : i32
      %ne3A_197 = arith.cmpi ne, %rem3A_195, %ne3A_196 : i32
      %lt3A = arith.constant 0 : i32
      %lt3A_198 = arith.cmpi slt, %rem3A_195, %lt3A : i32
      %lt3A_199 = arith.constant 0 : i32
      %lt3A_200 = arith.cmpi slt, %select_n3A_194, %lt3A_199 : i32
      %ne3A_201 = arith.xori %lt3A_198, %lt3A_200 : i1
      %and3A_202 = arith.andi %ne3A_201, %ne3A_197 : i1
      %add3A_203 = arith.addi %rem3A_195, %select_n3A_194 : i32
      %select_n3A_204 = arith.select %and3A_202, %add3A_203, %rem3A_195 : i32
      %mul3A_205 = arith.constant 128 : i32
      %mul3A_206 = arith.muli %scan3A_190, %mul3A_205 : i32
      %dma_wait3A_207 = arith.constant 0 : i32
      %dma_wait3A_208 = arith.constant 0 : i32
      %dma_wait3A_209 = tpu.memref_slice %arg9[%select_n3A_204, %dma_wait3A_207, %dma_wait3A_208] : memref<3x128x128xf32, #tpu.memory_space<vmem>> -> memref<1x128x128xf32, #tpu.memory_space<vmem>>
      %dma_wait3A_210 = tpu.memref_squeeze %dma_wait3A_209 : memref<1x128x128xf32, #tpu.memory_space<vmem>> -> memref<128x128xf32, #tpu.memory_space<vmem>>
      %dma_wait3A_211 = tpu.memref_slice %arg8[%mul3A_206] : memref<16384xi32, #tpu.memory_space<vmem>> -> memref<128xi32, #tpu.memory_space<vmem>>
      %dma_wait3A_212 = arith.constant 0 : i32
      %dma_wait3A_213 = arith.constant 0 : i32
      %dma_wait3A_214 = tpu.memref_slice %arg3[%dma_wait3A_212, %dma_wait3A_213] : memref<1000000x128xf32, #tpu.memory_space<hbm>> -> memref<1000000x128xf32, #tpu.memory_space<hbm>>
      %dma_wait3A_215 = tpu.memref_slice %arg14[%select_n3A_204] : memref<3x!tpu.dma_semaphore, #tpu.memory_space<semaphore_mem>> -> memref<1x!tpu.dma_semaphore, #tpu.memory_space<semaphore_mem>>
      %dma_wait3A_216 = tpu.memref_squeeze %dma_wait3A_215 : memref<1x!tpu.dma_semaphore, #tpu.memory_space<semaphore_mem>> -> memref<!tpu.dma_semaphore, #tpu.memory_space<semaphore_mem>>
      tpu.wait_indirect_dma semaphore(%dma_wait3A_216 : memref<!tpu.dma_semaphore, #tpu.memory_space<semaphore_mem>>) src(%dma_wait3A_214 : memref<1000000x128xf32, #tpu.memory_space<hbm>>) dst(%dma_wait3A_210 : memref<128x128xf32, #tpu.memory_space<vmem>>)
      %shift_right_logical3A = arith.constant 5 : i32
      %shift_right_logical3A_217 = arith.shrui %scan3A_190, %shift_right_logical3A : i32
      %mul3A_218 = arith.constant 64 : i32
      %mul3A_219 = arith.muli %shift_right_logical3A_217, %mul3A_218 : i32
      %add3A_220 = arith.constant 0 : i32
      %add3A_221 = arith.addi %mul3A_219, %add3A_220 : i32
      %get3A_222 = arith.index_cast %add3A_221 : i32 to index
      %get3A_223 = tpu.vector_load %arg11[%get3A_222] {strides = array<i32>} : memref<256xf32, #tpu.memory_space<vmem>>, vector<16xf32>,
      %get3A_224 = vector.shape_cast %get3A_223 : vector<16xf32> to vector<16xf32>
      %mul3A_225 = arith.constant 64 : i32
      %mul3A_226 = arith.muli %shift_right_logical3A_217, %mul3A_225 : i32
      %add3A_227 = arith.constant 16 : i32
      %add3A_228 = arith.addi %mul3A_226, %add3A_227 : i32
      %get3A_229 = arith.index_cast %add3A_228 : i32 to index
      %get3A_230 = tpu.vector_load %arg11[%get3A_229] {strides = array<i32>} : memref<256xf32, #tpu.memory_space<vmem>>, vector<16xf32>,
      %get3A_231 = vector.shape_cast %get3A_230 : vector<16xf32> to vector<16xf32>
      %mul3A_232 = arith.constant 64 : i32
      %mul3A_233 = arith.muli %shift_right_logical3A_217, %mul3A_232 : i32
      %add3A_234 = arith.constant 32 : i32
      %add3A_235 = arith.addi %mul3A_233, %add3A_234 : i32
      %get3A_236 = arith.index_cast %add3A_235 : i32 to index
      %get3A_237 = tpu.vector_load %arg11[%get3A_236] {strides = array<i32>} : memref<256xf32, #tpu.memory_space<vmem>>, vector<16xf32>,
      %get3A_238 = vector.shape_cast %get3A_237 : vector<16xf32> to vector<16xf32>
      %mul3A_239 = arith.constant 64 : i32
      %mul3A_240 = arith.muli %shift_right_logical3A_217, %mul3A_239 : i32
      %add3A_241 = arith.constant 48 : i32
      %add3A_242 = arith.addi %mul3A_240, %add3A_241 : i32
      %get3A_243 = arith.index_cast %add3A_242 : i32 to index
      %get3A_244 = tpu.vector_load %arg11[%get3A_243] {strides = array<i32>} : memref<256xf32, #tpu.memory_space<vmem>>, vector<16xf32>,
      %get3A_245 = vector.shape_cast %get3A_244 : vector<16xf32> to vector<16xf32>
      %parallel_loop3A = arith.constant 0 : i32
      %parallel_loop3A_246 = arith.constant 128 : i32
      %parallel_loop3A_247 = arith.constant 1 : i32
      scf.for %parallel_loop3A_292 = %parallel_loop3A to %parallel_loop3A_246 step %parallel_loop3A_247  : i32 {
        %parallel_loop3A_293 = arith.index_cast %select_n3A_204 : i32 to index
        %parallel_loop3A_294 = arith.index_cast %parallel_loop3A_292 : i32 to index
        %parallel_loop3A_295 = arith.constant 0 : index
        %parallel_loop3A_296 = tpu.vector_load %arg9[%parallel_loop3A_293, %parallel_loop3A_294, %parallel_loop3A_295] {strides = array<i32>} : memref<3x128x128xf32, #tpu.memory_space<vmem>>, vector<1x1x16xf32>,
        %parallel_loop3A_297 = vector.shape_cast %parallel_loop3A_296 : vector<1x1x16xf32> to vector<16xf32>
        %parallel_loop3A_298 = arith.constant 8.000000e+00 : f32
        %parallel_loop3A_299 = vector.broadcast %parallel_loop3A_298 : f32 to vector<16xf32>
        %parallel_loop3A_300 = arith.mulf %parallel_loop3A_297, %parallel_loop3A_299 : vector<16xf32>
        %parallel_loop3A_301 = arith.addf %parallel_loop3A_300, %get3A_224 : vector<16xf32>
        %parallel_loop3A_302 = arith.index_cast %select_n3A_204 : i32 to index
        %parallel_loop3A_303 = arith.index_cast %parallel_loop3A_292 : i32 to index
        %parallel_loop3A_304 = arith.constant 16 : index
        %parallel_loop3A_305 = tpu.vector_load %arg9[%parallel_loop3A_302, %parallel_loop3A_303, %parallel_loop3A_304] {strides = array<i32>} : memref<3x128x128xf32, #tpu.memory_space<vmem>>, vector<1x1x16xf32>,
        %parallel_loop3A_306 = vector.shape_cast %parallel_loop3A_305 : vector<1x1x16xf32> to vector<16xf32>
        %parallel_loop3A_307 = arith.constant 8.000000e+00 : f32
        %parallel_loop3A_308 = vector.broadcast %parallel_loop3A_307 : f32 to vector<16xf32>
        %parallel_loop3A_309 = arith.mulf %parallel_loop3A_306, %parallel_loop3A_308 : vector<16xf32>
        %parallel_loop3A_310 = arith.addf %parallel_loop3A_309, %get3A_231 : vector<16xf32>
        %parallel_loop3A_311 = arith.index_cast %select_n3A_204 : i32 to index
        %parallel_loop3A_312 = arith.index_cast %parallel_loop3A_292 : i32 to index
        %parallel_loop3A_313 = arith.constant 32 : index
        %parallel_loop3A_314 = tpu.vector_load %arg9[%parallel_loop3A_311, %parallel_loop3A_312, %parallel_loop3A_313] {strides = array<i32>} : memref<3x128x128xf32, #tpu.memory_space<vmem>>, vector<1x1x16xf32>,
        %parallel_loop3A_315 = vector.shape_cast %parallel_loop3A_314 : vector<1x1x16xf32> to vector<16xf32>
        %parallel_loop3A_316 = arith.constant 8.000000e+00 : f32
        %parallel_loop3A_317 = vector.broadcast %parallel_loop3A_316 : f32 to vector<16xf32>
        %parallel_loop3A_318 = arith.mulf %parallel_loop3A_315, %parallel_loop3A_317 : vector<16xf32>
        %parallel_loop3A_319 = arith.addf %parallel_loop3A_318, %get3A_238 : vector<16xf32>
        %parallel_loop3A_320 = arith.index_cast %select_n3A_204 : i32 to index
        %parallel_loop3A_321 = arith.index_cast %parallel_loop3A_292 : i32 to index
        %parallel_loop3A_322 = arith.constant 48 : index
        %parallel_loop3A_323 = tpu.vector_load %arg9[%parallel_loop3A_320, %parallel_loop3A_321, %parallel_loop3A_322] {strides = array<i32>} : memref<3x128x128xf32, #tpu.memory_space<vmem>>, vector<1x1x16xf32>,
        %parallel_loop3A_324 = vector.shape_cast %parallel_loop3A_323 : vector<1x1x16xf32> to vector<16xf32>
        %parallel_loop3A_325 = arith.constant 8.000000e+00 : f32
        %parallel_loop3A_326 = vector.broadcast %parallel_loop3A_325 : f32 to vector<16xf32>
        %parallel_loop3A_327 = arith.mulf %parallel_loop3A_324, %parallel_loop3A_326 : vector<16xf32>
        %parallel_loop3A_328 = arith.addf %parallel_loop3A_327, %get3A_245 : vector<16xf32>
        %parallel_loop3A_329 = arith.addf %parallel_loop3A_301, %parallel_loop3A_310 : vector<16xf32>
        %parallel_loop3A_330 = arith.addf %parallel_loop3A_319, %parallel_loop3A_328 : vector<16xf32>
        %parallel_loop3A_331 = arith.addf %parallel_loop3A_329, %parallel_loop3A_330 : vector<16xf32>
        %parallel_loop3A_332 = arith.mulf %parallel_loop3A_301, %parallel_loop3A_301 : vector<16xf32>
        %parallel_loop3A_333 = arith.mulf %parallel_loop3A_310, %parallel_loop3A_310 : vector<16xf32>
        %parallel_loop3A_334 = arith.addf %parallel_loop3A_332, %parallel_loop3A_333 : vector<16xf32>
        %parallel_loop3A_335 = arith.mulf %parallel_loop3A_319, %parallel_loop3A_319 : vector<16xf32>
        %parallel_loop3A_336 = arith.mulf %parallel_loop3A_328, %parallel_loop3A_328 : vector<16xf32>
        %parallel_loop3A_337 = arith.addf %parallel_loop3A_335, %parallel_loop3A_336 : vector<16xf32>
        %parallel_loop3A_338 = arith.addf %parallel_loop3A_334, %parallel_loop3A_337 : vector<16xf32>
        %parallel_loop3A_339 = tpu.iota {dimensions = array<i32: 0>} : vector<16xi32>
        %parallel_loop3A_340 = arith.constant 8 : i32
        %parallel_loop3A_341 = vector.broadcast %parallel_loop3A_340 : i32 to vector<16xi32>
        %parallel_loop3A_342 = arith.xori %parallel_loop3A_339, %parallel_loop3A_341 : vector<16xi32>
        %parallel_loop3A_343 = vector.shape_cast %parallel_loop3A_342 : vector<16xi32> to vector<16x1xi32>
        %parallel_loop3A_344 = vector.shape_cast %parallel_loop3A_343 : vector<16x1xi32> to vector<16xi32>
        %parallel_loop3A_345 = tpu.dynamic_gather %parallel_loop3A_331[%parallel_loop3A_344] in [0] : vector<16xf32>, vector<16xi32> -> vector<16xf32>
        %parallel_loop3A_346 = arith.addf %parallel_loop3A_331, %parallel_loop3A_345 : vector<16xf32>
        %parallel_loop3A_347 = arith.constant 4 : i32
        %parallel_loop3A_348 = vector.broadcast %parallel_loop3A_347 : i32 to vector<16xi32>
        %parallel_loop3A_349 = arith.xori %parallel_loop3A_339, %parallel_loop3A_348 : vector<16xi32>
        %parallel_loop3A_350 = vector.shape_cast %parallel_loop3A_349 : vector<16xi32> to vector<16x1xi32>
        %parallel_loop3A_351 = vector.shape_cast %parallel_loop3A_350 : vector<16x1xi32> to vector<16xi32>
        %parallel_loop3A_352 = tpu.dynamic_gather %parallel_loop3A_346[%parallel_loop3A_351] in [0] : vector<16xf32>, vector<16xi32> -> vector<16xf32>
        %parallel_loop3A_353 = arith.addf %parallel_loop3A_346, %parallel_loop3A_352 : vector<16xf32>
        %parallel_loop3A_354 = arith.constant 2 : i32
        %parallel_loop3A_355 = vector.broadcast %parallel_loop3A_354 : i32 to vector<16xi32>
        %parallel_loop3A_356 = arith.xori %parallel_loop3A_339, %parallel_loop3A_355 : vector<16xi32>
        %parallel_loop3A_357 = vector.shape_cast %parallel_loop3A_356 : vector<16xi32> to vector<16x1xi32>
        %parallel_loop3A_358 = vector.shape_cast %parallel_loop3A_357 : vector<16x1xi32> to vector<16xi32>
        %parallel_loop3A_359 = tpu.dynamic_gather %parallel_loop3A_353[%parallel_loop3A_358] in [0] : vector<16xf32>, vector<16xi32> -> vector<16xf32>
        %parallel_loop3A_360 = arith.addf %parallel_loop3A_353, %parallel_loop3A_359 : vector<16xf32>
        %parallel_loop3A_361 = arith.constant 1 : i32
        %parallel_loop3A_362 = vector.broadcast %parallel_loop3A_361 : i32 to vector<16xi32>
        %parallel_loop3A_363 = arith.xori %parallel_loop3A_339, %parallel_loop3A_362 : vector<16xi32>
        %parallel_loop3A_364 = vector.shape_cast %parallel_loop3A_363 : vector<16xi32> to vector<16x1xi32>
        %parallel_loop3A_365 = vector.shape_cast %parallel_loop3A_364 : vector<16x1xi32> to vector<16xi32>
        %parallel_loop3A_366 = tpu.dynamic_gather %parallel_loop3A_360[%parallel_loop3A_365] in [0] : vector<16xf32>, vector<16xi32> -> vector<16xf32>
        %parallel_loop3A_367 = arith.addf %parallel_loop3A_360, %parallel_loop3A_366 : vector<16xf32>
        %parallel_loop3A_368 = arith.constant 1.562500e-02 : f32
        %parallel_loop3A_369 = vector.broadcast %parallel_loop3A_368 : f32 to vector<16xf32>
        %parallel_loop3A_370 = arith.mulf %parallel_loop3A_367, %parallel_loop3A_369 : vector<16xf32>
        %parallel_loop3A_371 = tpu.iota {dimensions = array<i32: 0>} : vector<16xi32>
        %parallel_loop3A_372 = arith.constant 8 : i32
        %parallel_loop3A_373 = vector.broadcast %parallel_loop3A_372 : i32 to vector<16xi32>
        %parallel_loop3A_374 = arith.xori %parallel_loop3A_371, %parallel_loop3A_373 : vector<16xi32>
        %parallel_loop3A_375 = vector.shape_cast %parallel_loop3A_374 : vector<16xi32> to vector<16x1xi32>
        %parallel_loop3A_376 = vector.shape_cast %parallel_loop3A_375 : vector<16x1xi32> to vector<16xi32>
        %parallel_loop3A_377 = tpu.dynamic_gather %parallel_loop3A_338[%parallel_loop3A_376] in [0] : vector<16xf32>, vector<16xi32> -> vector<16xf32>
        %parallel_loop3A_378 = arith.addf %parallel_loop3A_338, %parallel_loop3A_377 : vector<16xf32>
        %parallel_loop3A_379 = arith.constant 4 : i32
        %parallel_loop3A_380 = vector.broadcast %parallel_loop3A_379 : i32 to vector<16xi32>
        %parallel_loop3A_381 = arith.xori %parallel_loop3A_371, %parallel_loop3A_380 : vector<16xi32>
        %parallel_loop3A_382 = vector.shape_cast %parallel_loop3A_381 : vector<16xi32> to vector<16x1xi32>
        %parallel_loop3A_383 = vector.shape_cast %parallel_loop3A_382 : vector<16x1xi32> to vector<16xi32>
        %parallel_loop3A_384 = tpu.dynamic_gather %parallel_loop3A_378[%parallel_loop3A_383] in [0] : vector<16xf32>, vector<16xi32> -> vector<16xf32>
        %parallel_loop3A_385 = arith.addf %parallel_loop3A_378, %parallel_loop3A_384 : vector<16xf32>
        %parallel_loop3A_386 = arith.constant 2 : i32
        %parallel_loop3A_387 = vector.broadcast %parallel_loop3A_386 : i32 to vector<16xi32>
        %parallel_loop3A_388 = arith.xori %parallel_loop3A_371, %parallel_loop3A_387 : vector<16xi32>
        %parallel_loop3A_389 = vector.shape_cast %parallel_loop3A_388 : vector<16xi32> to vector<16x1xi32>
        %parallel_loop3A_390 = vector.shape_cast %parallel_loop3A_389 : vector<16x1xi32> to vector<16xi32>
        %parallel_loop3A_391 = tpu.dynamic_gather %parallel_loop3A_385[%parallel_loop3A_390] in [0] : vector<16xf32>, vector<16xi32> -> vector<16xf32>
        %parallel_loop3A_392 = arith.addf %parallel_loop3A_385, %parallel_loop3A_391 : vector<16xf32>
        %parallel_loop3A_393 = arith.constant 1 : i32
        %parallel_loop3A_394 = vector.broadcast %parallel_loop3A_393 : i32 to vector<16xi32>
        %parallel_loop3A_395 = arith.xori %parallel_loop3A_371, %parallel_loop3A_394 : vector<16xi32>
        %parallel_loop3A_396 = vector.shape_cast %parallel_loop3A_395 : vector<16xi32> to vector<16x1xi32>
        %parallel_loop3A_397 = vector.shape_cast %parallel_loop3A_396 : vector<16x1xi32> to vector<16xi32>
        %parallel_loop3A_398 = tpu.dynamic_gather %parallel_loop3A_392[%parallel_loop3A_397] in [0] : vector<16xf32>, vector<16xi32> -> vector<16xf32>
        %parallel_loop3A_399 = arith.addf %parallel_loop3A_392, %parallel_loop3A_398 : vector<16xf32>
        %parallel_loop3A_400 = arith.constant 1.562500e-02 : f32
        %parallel_loop3A_401 = vector.broadcast %parallel_loop3A_400 : f32 to vector<16xf32>
        %parallel_loop3A_402 = arith.mulf %parallel_loop3A_399, %parallel_loop3A_401 : vector<16xf32>
        %parallel_loop3A_403 = arith.mulf %parallel_loop3A_370, %parallel_loop3A_370 : vector<16xf32>
        %parallel_loop3A_404 = arith.subf %parallel_loop3A_402, %parallel_loop3A_403 : vector<16xf32>
        %parallel_loop3A_405 = arith.constant 9.99999974E-6 : f32
        %parallel_loop3A_406 = vector.broadcast %parallel_loop3A_405 : f32 to vector<16xf32>
        %parallel_loop3A_407 = arith.addf %parallel_loop3A_404, %parallel_loop3A_406 : vector<16xf32>
        %parallel_loop3A_408 = arith.constant 1597463007 : i32
        %parallel_loop3A_409 = vector.broadcast %parallel_loop3A_408 : i32 to vector<16xi32>
        %parallel_loop3A_410 = tpu.bitcast %parallel_loop3A_407 : vector<16xf32> -> vector<16xi32>
        %parallel_loop3A_411 = arith.constant 1 : i32
        %parallel_loop3A_412 = vector.broadcast %parallel_loop3A_411 : i32 to vector<16xi32>
        %parallel_loop3A_413 = arith.shrui %parallel_loop3A_410, %parallel_loop3A_412 : vector<16xi32>
        %parallel_loop3A_414 = arith.subi %parallel_loop3A_409, %parallel_loop3A_413 : vector<16xi32>
        %parallel_loop3A_415 = tpu.bitcast %parallel_loop3A_414 : vector<16xi32> -> vector<16xf32>
        %parallel_loop3A_416 = arith.constant -5.000000e-01 : f32
        %parallel_loop3A_417 = vector.broadcast %parallel_loop3A_416 : f32 to vector<16xf32>
        %parallel_loop3A_418 = arith.mulf %parallel_loop3A_407, %parallel_loop3A_417 : vector<16xf32>
        %parallel_loop3A_419 = arith.mulf %parallel_loop3A_415, %parallel_loop3A_415 : vector<16xf32>
        %parallel_loop3A_420 = arith.mulf %parallel_loop3A_419, %parallel_loop3A_418 : vector<16xf32>
        %parallel_loop3A_421 = arith.constant 1.500000e+00 : f32
        %parallel_loop3A_422 = vector.broadcast %parallel_loop3A_421 : f32 to vector<16xf32>
        %parallel_loop3A_423 = arith.addf %parallel_loop3A_420, %parallel_loop3A_422 : vector<16xf32>
        %parallel_loop3A_424 = arith.mulf %parallel_loop3A_415, %parallel_loop3A_423 : vector<16xf32>
        %parallel_loop3A_425 = arith.mulf %parallel_loop3A_424, %parallel_loop3A_424 : vector<16xf32>
        %parallel_loop3A_426 = arith.mulf %parallel_loop3A_425, %parallel_loop3A_418 : vector<16xf32>
        %parallel_loop3A_427 = arith.constant 1.500000e+00 : f32
        %parallel_loop3A_428 = vector.broadcast %parallel_loop3A_427 : f32 to vector<16xf32>
        %parallel_loop3A_429 = arith.addf %parallel_loop3A_426, %parallel_loop3A_428 : vector<16xf32>
        %parallel_loop3A_430 = arith.mulf %parallel_loop3A_424, %parallel_loop3A_429 : vector<16xf32>
        %parallel_loop3A_431 = arith.constant 1 : i32
        %parallel_loop3A_432 = arith.shrui %parallel_loop3A_292, %parallel_loop3A_431 : i32
        %parallel_loop3A_433 = arith.constant 1 : i32
        %parallel_loop3A_434 = arith.andi %parallel_loop3A_292, %parallel_loop3A_433 : i32
        %parallel_loop3A_435 = arith.constant 64 : i32
        %parallel_loop3A_436 = arith.muli %parallel_loop3A_434, %parallel_loop3A_435 : i32
        %parallel_loop3A_437 = arith.mulf %parallel_loop3A_430, %get3A_8 : vector<16xf32>
        %parallel_loop3A_438 = arith.mulf %parallel_loop3A_370, %parallel_loop3A_437 : vector<16xf32>
        %parallel_loop3A_439 = arith.subf %get3A_20, %parallel_loop3A_438 : vector<16xf32>
        %parallel_loop3A_440 = arith.mulf %parallel_loop3A_301, %parallel_loop3A_437 : vector<16xf32>
        %parallel_loop3A_441 = arith.addf %parallel_loop3A_440, %parallel_loop3A_439 : vector<16xf32>
        %parallel_loop3A_442 = arith.constant 0 : i32
        %parallel_loop3A_443 = arith.addi %parallel_loop3A_436, %parallel_loop3A_442 : i32
        %parallel_loop3A_444 = arith.index_cast %select_n3A_204 : i32 to index
        %parallel_loop3A_445 = arith.index_cast %parallel_loop3A_432 : i32 to index
        %parallel_loop3A_446 = arith.index_cast %parallel_loop3A_443 : i32 to index
        %parallel_loop3A_447 = tpu.vector_load %arg10[%parallel_loop3A_444, %parallel_loop3A_445, %parallel_loop3A_446] {strides = array<i32>} : memref<3x64x128xf32, #tpu.memory_space<vmem>>, vector<1x1x16xf32>,
        %parallel_loop3A_448 = vector.shape_cast %parallel_loop3A_447 : vector<1x1x16xf32> to vector<16xf32>
        %parallel_loop3A_449 = vector.shape_cast %parallel_loop3A_441 : vector<16xf32> to vector<1x1x16xf32>
        tpu.vector_store %arg10[%parallel_loop3A_444, %parallel_loop3A_445, %parallel_loop3A_446], %parallel_loop3A_449 {strides = array<i32>} : memref<3x64x128xf32, #tpu.memory_space<vmem>>, vector<1x1x16xf32>,
        %parallel_loop3A_450 = arith.mulf %parallel_loop3A_430, %get3A_11 : vector<16xf32>
        %parallel_loop3A_451 = arith.mulf %parallel_loop3A_370, %parallel_loop3A_450 : vector<16xf32>
        %parallel_loop3A_452 = arith.subf %get3A_23, %parallel_loop3A_451 : vector<16xf32>
        %parallel_loop3A_453 = arith.mulf %parallel_loop3A_310, %parallel_loop3A_450 : vector<16xf32>
        %parallel_loop3A_454 = arith.addf %parallel_loop3A_453, %parallel_loop3A_452 : vector<16xf32>
        %parallel_loop3A_455 = arith.constant 16 : i32
        %parallel_loop3A_456 = arith.addi %parallel_loop3A_436, %parallel_loop3A_455 : i32
        %parallel_loop3A_457 = arith.index_cast %select_n3A_204 : i32 to index
        %parallel_loop3A_458 = arith.index_cast %parallel_loop3A_432 : i32 to index
        %parallel_loop3A_459 = arith.index_cast %parallel_loop3A_456 : i32 to index
        %parallel_loop3A_460 = tpu.vector_load %arg10[%parallel_loop3A_457, %parallel_loop3A_458, %parallel_loop3A_459] {strides = array<i32>} : memref<3x64x128xf32, #tpu.memory_space<vmem>>, vector<1x1x16xf32>,
        %parallel_loop3A_461 = vector.shape_cast %parallel_loop3A_460 : vector<1x1x16xf32> to vector<16xf32>
        %parallel_loop3A_462 = vector.shape_cast %parallel_loop3A_454 : vector<16xf32> to vector<1x1x16xf32>
        tpu.vector_store %arg10[%parallel_loop3A_457, %parallel_loop3A_458, %parallel_loop3A_459], %parallel_loop3A_462 {strides = array<i32>} : memref<3x64x128xf32, #tpu.memory_space<vmem>>, vector<1x1x16xf32>,
        %parallel_loop3A_463 = arith.mulf %parallel_loop3A_430, %get3A_14 : vector<16xf32>
        %parallel_loop3A_464 = arith.mulf %parallel_loop3A_370, %parallel_loop3A_463 : vector<16xf32>
        %parallel_loop3A_465 = arith.subf %get3A_26, %parallel_loop3A_464 : vector<16xf32>
        %parallel_loop3A_466 = arith.mulf %parallel_loop3A_319, %parallel_loop3A_463 : vector<16xf32>
        %parallel_loop3A_467 = arith.addf %parallel_loop3A_466, %parallel_loop3A_465 : vector<16xf32>
        %parallel_loop3A_468 = arith.constant 32 : i32
        %parallel_loop3A_469 = arith.addi %parallel_loop3A_436, %parallel_loop3A_468 : i32
        %parallel_loop3A_470 = arith.index_cast %select_n3A_204 : i32 to index
        %parallel_loop3A_471 = arith.index_cast %parallel_loop3A_432 : i32 to index
        %parallel_loop3A_472 = arith.index_cast %parallel_loop3A_469 : i32 to index
        %parallel_loop3A_473 = tpu.vector_load %arg10[%parallel_loop3A_470, %parallel_loop3A_471, %parallel_loop3A_472] {strides = array<i32>} : memref<3x64x128xf32, #tpu.memory_space<vmem>>, vector<1x1x16xf32>,
        %parallel_loop3A_474 = vector.shape_cast %parallel_loop3A_473 : vector<1x1x16xf32> to vector<16xf32>
        %parallel_loop3A_475 = vector.shape_cast %parallel_loop3A_467 : vector<16xf32> to vector<1x1x16xf32>
        tpu.vector_store %arg10[%parallel_loop3A_470, %parallel_loop3A_471, %parallel_loop3A_472], %parallel_loop3A_475 {strides = array<i32>} : memref<3x64x128xf32, #tpu.memory_space<vmem>>, vector<1x1x16xf32>,
        %parallel_loop3A_476 = arith.mulf %parallel_loop3A_430, %get3A_17 : vector<16xf32>
        %parallel_loop3A_477 = arith.mulf %parallel_loop3A_370, %parallel_loop3A_476 : vector<16xf32>
        %parallel_loop3A_478 = arith.subf %get3A_29, %parallel_loop3A_477 : vector<16xf32>
        %parallel_loop3A_479 = arith.mulf %parallel_loop3A_328, %parallel_loop3A_476 : vector<16xf32>
        %parallel_loop3A_480 = arith.addf %parallel_loop3A_479, %parallel_loop3A_478 : vector<16xf32>
        %parallel_loop3A_481 = arith.constant 48 : i32
        %parallel_loop3A_482 = arith.addi %parallel_loop3A_436, %parallel_loop3A_481 : i32
        %parallel_loop3A_483 = arith.index_cast %select_n3A_204 : i32 to index
        %parallel_loop3A_484 = arith.index_cast %parallel_loop3A_432 : i32 to index
        %parallel_loop3A_485 = arith.index_cast %parallel_loop3A_482 : i32 to index
        %parallel_loop3A_486 = tpu.vector_load %arg10[%parallel_loop3A_483, %parallel_loop3A_484, %parallel_loop3A_485] {strides = array<i32>} : memref<3x64x128xf32, #tpu.memory_space<vmem>>, vector<1x1x16xf32>,
        %parallel_loop3A_487 = vector.shape_cast %parallel_loop3A_486 : vector<1x1x16xf32> to vector<16xf32>
        %parallel_loop3A_488 = vector.shape_cast %parallel_loop3A_480 : vector<16xf32> to vector<1x1x16xf32>
        tpu.vector_store %arg10[%parallel_loop3A_483, %parallel_loop3A_484, %parallel_loop3A_485], %parallel_loop3A_488 {strides = array<i32>} : memref<3x64x128xf32, #tpu.memory_space<vmem>>, vector<1x1x16xf32>,
      } {sc.loop_unroll_factor = 4 : i64, sc.parallel_access}
      %mul3A_248 = arith.constant 128 : i32
      %mul3A_249 = arith.muli %scan3A_190, %mul3A_248 : i32
      %add3A_250 = arith.addi %mul3A_4, %mul3A_249 : i32
      %jit3A_251 = arith.constant 2 : i32
      %div3A_252 = arith.divsi %add3A_250, %jit3A_251 : i32
      %sign3A_253 = arith.constant 0 : i32
      %sign3A_254 = arith.cmpi sgt, %add3A_250, %sign3A_253 : i32
      %sign3A_255 = arith.extui %sign3A_254 : i1 to i32
      %sign3A_256 = arith.constant 0 : i32
      %sign3A_257 = arith.cmpi slt, %add3A_250, %sign3A_256 : i32
      %sign3A_258 = arith.extui %sign3A_257 : i1 to i32
      %sign3A_259 = arith.subi %sign3A_255, %sign3A_258 : i32
      %sign3A_260 = arith.constant 0 : i32
      %sign3A_261 = arith.cmpi sgt, %jit3A_251, %sign3A_260 : i32
      %sign3A_262 = arith.extui %sign3A_261 : i1 to i32
      %sign3A_263 = arith.constant 0 : i32
      %sign3A_264 = arith.cmpi slt, %jit3A_251, %sign3A_263 : i32
      %sign3A_265 = arith.extui %sign3A_264 : i1 to i32
      %sign3A_266 = arith.subi %sign3A_262, %sign3A_265 : i32
      %ne3A_267 = arith.cmpi ne, %sign3A_259, %sign3A_266 : i32
      %rem3A_268 = arith.remsi %add3A_250, %jit3A_251 : i32
      %ne3A_269 = arith.constant 0 : i32
      %ne3A_270 = arith.cmpi ne, %rem3A_268, %ne3A_269 : i32
      %and3A_271 = arith.andi %ne3A_267, %ne3A_270 : i1
      %sub3A_272 = arith.constant 1 : i32
      %sub3A_273 = arith.subi %div3A_252, %sub3A_272 : i32
      %select_n3A_274 = arith.select %and3A_271, %sub3A_273, %div3A_252 : i32
      %dma_start3A_275 = arith.constant 0 : i32
      %dma_start3A_276 = arith.constant 0 : i32
      %dma_start3A_277 = tpu.memref_slice %arg10[%select_n3A_204, %dma_start3A_275, %dma_start3A_276] : memref<3x64x128xf32, #tpu.memory_space<vmem>> -> memref<1x64x128xf32, #tpu.memory_space<vmem>>
      %dma_start3A_278 = tpu.memref_squeeze %dma_start3A_277 : memref<1x64x128xf32, #tpu.memory_space<vmem>> -> memref<64x128xf32, #tpu.memory_space<vmem>>
      %dma_start3A_279 = arith.constant 0 : i32
      %dma_start3A_280 = tpu.memref_slice %arg7[%select_n3A_274, %dma_start3A_279] : memref<262144x128xf32, #tpu.memory_space<hbm>> -> memref<64x128xf32, #tpu.memory_space<hbm>>
      %dma_start3A_281 = tpu.memref_slice %arg15[%select_n3A_204] : memref<3x!tpu.dma_semaphore, #tpu.memory_space<semaphore_mem>> -> memref<1x!tpu.dma_semaphore, #tpu.memory_space<semaphore_mem>>
      %dma_start3A_282 = tpu.memref_squeeze %dma_start3A_281 : memref<1x!tpu.dma_semaphore, #tpu.memory_space<semaphore_mem>> -> memref<!tpu.dma_semaphore, #tpu.memory_space<semaphore_mem>>
      %dma_start3A_283 = arith.constant 0 : i32
      %dma_start3A_284 = tpu.memref_slice %arg7[%select_n3A_274, %dma_start3A_283] : memref<262144x128xf32, #tpu.memory_space<hbm>> -> memref<64x128xf32, #tpu.memory_space<hbm>>
      %dma_start3A_285 = arith.constant 0 : i32
      %dma_start3A_286 = arith.constant 0 : i32
      %dma_start3A_287 = tpu.memref_slice %arg10[%select_n3A_204, %dma_start3A_285, %dma_start3A_286] : memref<3x64x128xf32, #tpu.memory_space<vmem>> -> memref<1x64x128xf32, #tpu.memory_space<vmem>>
      %dma_start3A_288 = tpu.memref_squeeze %dma_start3A_287 : memref<1x64x128xf32, #tpu.memory_space<vmem>> -> memref<64x128xf32, #tpu.memory_space<vmem>>
      tpu.enqueue_dma source(%dma_start3A_288 : memref<64x128xf32, #tpu.memory_space<vmem>>) target(%dma_start3A_284 : memref<64x128xf32, #tpu.memory_space<hbm>>) target_semaphore(%dma_start3A_282 : memref<!tpu.dma_semaphore, #tpu.memory_space<semaphore_mem>>)
      %lt3A_289 = arith.constant 125 : i32
      %lt3A_290 = arith.cmpi slt, %scan3A_190, %lt3A_289 : i32
      %convert_element_type3A = arith.extui %lt3A_290 : i1 to i32
      %cond3A = arith.constant 0 : i32
      %cond3A_291 = arith.cmpi ne, %convert_element_type3A, %cond3A : i32
      scf.if %cond3A_291 {
        %mul3A_292 = arith.constant 128 : i32
        %mul3A_293 = arith.muli %scan3A_190, %mul3A_292 : i32
        %add3A_294 = arith.addi %mul3A_4, %mul3A_293 : i32
        %jit3A_295 = arith.constant 2 : i32
        %div3A_296 = arith.divsi %add3A_294, %jit3A_295 : i32
        %sign3A_297 = arith.constant 0 : i32
        %sign3A_298 = arith.cmpi sgt, %add3A_294, %sign3A_297 : i32
        %sign3A_299 = arith.extui %sign3A_298 : i1 to i32
        %sign3A_300 = arith.constant 0 : i32
        %sign3A_301 = arith.cmpi slt, %add3A_294, %sign3A_300 : i32
        %sign3A_302 = arith.extui %sign3A_301 : i1 to i32
        %sign3A_303 = arith.subi %sign3A_299, %sign3A_302 : i32
        %sign3A_304 = arith.constant 0 : i32
        %sign3A_305 = arith.cmpi sgt, %jit3A_295, %sign3A_304 : i32
        %sign3A_306 = arith.extui %sign3A_305 : i1 to i32
        %sign3A_307 = arith.constant 0 : i32
        %sign3A_308 = arith.cmpi slt, %jit3A_295, %sign3A_307 : i32
        %sign3A_309 = arith.extui %sign3A_308 : i1 to i32
        %sign3A_310 = arith.subi %sign3A_306, %sign3A_309 : i32
        %ne3A_311 = arith.cmpi ne, %sign3A_303, %sign3A_310 : i32
        %rem3A_312 = arith.remsi %add3A_294, %jit3A_295 : i32
        %ne3A_313 = arith.constant 0 : i32
        %ne3A_314 = arith.cmpi ne, %rem3A_312, %ne3A_313 : i32
        %and3A_315 = arith.andi %ne3A_311, %ne3A_314 : i1
        %sub3A_316 = arith.constant 1 : i32
        %sub3A_317 = arith.subi %div3A_296, %sub3A_316 : i32
        %select_n3A_318 = arith.select %and3A_315, %sub3A_317, %div3A_296 : i32
        %dma_wait3A_319 = arith.constant 0 : i32
        %dma_wait3A_320 = arith.constant 0 : i32
        %dma_wait3A_321 = tpu.memref_slice %arg10[%select_n3A_204, %dma_wait3A_319, %dma_wait3A_320] : memref<3x64x128xf32, #tpu.memory_space<vmem>> -> memref<1x64x128xf32, #tpu.memory_space<vmem>>
        %dma_wait3A_322 = tpu.memref_squeeze %dma_wait3A_321 : memref<1x64x128xf32, #tpu.memory_space<vmem>> -> memref<64x128xf32, #tpu.memory_space<vmem>>
        %dma_wait3A_323 = arith.constant 0 : i32
        %dma_wait3A_324 = tpu.memref_slice %arg7[%select_n3A_318, %dma_wait3A_323] : memref<262144x128xf32, #tpu.memory_space<hbm>> -> memref<64x128xf32, #tpu.memory_space<hbm>>
        %dma_wait3A_325 = tpu.memref_slice %arg15[%select_n3A_204] : memref<3x!tpu.dma_semaphore, #tpu.memory_space<semaphore_mem>> -> memref<1x!tpu.dma_semaphore, #tpu.memory_space<semaphore_mem>>
        %dma_wait3A_326 = tpu.memref_squeeze %dma_wait3A_325 : memref<1x!tpu.dma_semaphore, #tpu.memory_space<semaphore_mem>> -> memref<!tpu.dma_semaphore, #tpu.memory_space<semaphore_mem>>
        %dma_wait3A_327 = arith.constant 0 : i32
        %dma_wait3A_328 = tpu.memref_slice %arg7[%select_n3A_318, %dma_wait3A_327] : memref<262144x128xf32, #tpu.memory_space<hbm>> -> memref<64x128xf32, #tpu.memory_space<hbm>>
        %dma_wait3A_329 = arith.constant 0 : i32
        %dma_wait3A_330 = arith.constant 0 : i32
        %dma_wait3A_331 = tpu.memref_slice %arg10[%select_n3A_204, %dma_wait3A_329, %dma_wait3A_330] : memref<3x64x128xf32, #tpu.memory_space<vmem>> -> memref<1x64x128xf32, #tpu.memory_space<vmem>>
        %dma_wait3A_332 = tpu.memref_squeeze %dma_wait3A_331 : memref<1x64x128xf32, #tpu.memory_space<vmem>> -> memref<64x128xf32, #tpu.memory_space<vmem>>
        tpu.wait_dma2 semaphore(%dma_wait3A_326 : memref<!tpu.dma_semaphore, #tpu.memory_space<semaphore_mem>>) src(%dma_wait3A_332 : memref<64x128xf32, #tpu.memory_space<vmem>>) dst(%dma_wait3A_328 : memref<64x128xf32, #tpu.memory_space<hbm>>)
        %add3A_333 = arith.constant 3 : i32
        %add3A_334 = arith.addi %scan3A_190, %add3A_333 : i32
        %mul3A_335 = arith.constant 128 : i32
        %mul3A_336 = arith.muli %add3A_334, %mul3A_335 : i32
        %dma_start3A_337 = arith.constant 0 : i32
        %dma_start3A_338 = arith.constant 0 : i32
        %dma_start3A_339 = tpu.memref_slice %arg9[%select_n3A_204, %dma_start3A_337, %dma_start3A_338] : memref<3x128x128xf32, #tpu.memory_space<vmem>> -> memref<1x128x128xf32, #tpu.memory_space<vmem>>
        %dma_start3A_340 = tpu.memref_squeeze %dma_start3A_339 : memref<1x128x128xf32, #tpu.memory_space<vmem>> -> memref<128x128xf32, #tpu.memory_space<vmem>>
        %dma_start3A_341 = tpu.memref_slice %arg8[%mul3A_336] : memref<16384xi32, #tpu.memory_space<vmem>> -> memref<128xi32, #tpu.memory_space<vmem>>
        %dma_start3A_342 = arith.constant 0 : i32
        %dma_start3A_343 = arith.constant 0 : i32
        %dma_start3A_344 = tpu.memref_slice %arg3[%dma_start3A_342, %dma_start3A_343] : memref<1000000x128xf32, #tpu.memory_space<hbm>> -> memref<1000000x128xf32, #tpu.memory_space<hbm>>
        %dma_start3A_345 = tpu.memref_slice %arg14[%select_n3A_204] : memref<3x!tpu.dma_semaphore, #tpu.memory_space<semaphore_mem>> -> memref<1x!tpu.dma_semaphore, #tpu.memory_space<semaphore_mem>>
        %dma_start3A_346 = tpu.memref_squeeze %dma_start3A_345 : memref<1x!tpu.dma_semaphore, #tpu.memory_space<semaphore_mem>> -> memref<!tpu.dma_semaphore, #tpu.memory_space<semaphore_mem>>
        tpu.enqueue_indirect_dma source(%dma_start3A_344 : memref<1000000x128xf32, #tpu.memory_space<hbm>>) target(%dma_start3A_340 : memref<128x128xf32, #tpu.memory_space<vmem>>) offsets(%dma_start3A_341 : memref<128xi32, #tpu.memory_space<vmem>>) semaphore(%dma_start3A_346 : memref<!tpu.dma_semaphore, #tpu.memory_space<semaphore_mem>>)
      } else {
      }
    }
    %scan3A_72 = arith.constant 128 : i32
    %add3A_73 = arith.constant 16000 : i32
    %add3A_74 = arith.addi %mul3A_4, %add3A_73 : i32
    %jit3A = arith.constant 2 : i32
    %div3A = arith.divsi %add3A_74, %jit3A : i32
    %sign3A = arith.constant 0 : i32
    %sign3A_75 = arith.cmpi sgt, %add3A_74, %sign3A : i32
    %sign3A_76 = arith.extui %sign3A_75 : i1 to i32
    %sign3A_77 = arith.constant 0 : i32
    %sign3A_78 = arith.cmpi slt, %add3A_74, %sign3A_77 : i32
    %sign3A_79 = arith.extui %sign3A_78 : i1 to i32
    %sign3A_80 = arith.subi %sign3A_76, %sign3A_79 : i32
    %sign3A_81 = arith.constant 0 : i32
    %sign3A_82 = arith.cmpi sgt, %jit3A, %sign3A_81 : i32
    %sign3A_83 = arith.extui %sign3A_82 : i1 to i32
    %sign3A_84 = arith.constant 0 : i32
    %sign3A_85 = arith.cmpi slt, %jit3A, %sign3A_84 : i32
    %sign3A_86 = arith.extui %sign3A_85 : i1 to i32
    %sign3A_87 = arith.subi %sign3A_83, %sign3A_86 : i32
    %ne3A = arith.cmpi ne, %sign3A_80, %sign3A_87 : i32
    %rem3A = arith.remsi %add3A_74, %jit3A : i32
    %ne3A_88 = arith.constant 0 : i32
    %ne3A_89 = arith.cmpi ne, %rem3A, %ne3A_88 : i32
    %and3A = arith.andi %ne3A, %ne3A_89 : i1
    %sub3A = arith.constant 1 : i32
    %sub3A_90 = arith.subi %div3A, %sub3A : i32
    %select_n3A = arith.select %and3A, %sub3A_90, %div3A : i32
    %dma_wait3A = arith.constant 2 : i32
    %dma_wait3A_91 = arith.constant 2 : i32
    %dma_wait3A_92 = arith.constant 0 : i32
    %dma_wait3A_93 = arith.constant 0 : i32
    %dma_wait3A_94 = tpu.memref_slice %arg10[%dma_wait3A, %dma_wait3A_92, %dma_wait3A_93] : memref<3x64x128xf32, #tpu.memory_space<vmem>> -> memref<1x64x128xf32, #tpu.memory_space<vmem>>
    %dma_wait3A_95 = tpu.memref_squeeze %dma_wait3A_94 : memref<1x64x128xf32, #tpu.memory_space<vmem>> -> memref<64x128xf32, #tpu.memory_space<vmem>>
    %dma_wait3A_96 = arith.constant 0 : i32
    %dma_wait3A_97 = tpu.memref_slice %arg7[%select_n3A, %dma_wait3A_96] : memref<262144x128xf32, #tpu.memory_space<hbm>> -> memref<64x128xf32, #tpu.memory_space<hbm>>
    %dma_wait3A_98 = tpu.memref_slice %arg15[%dma_wait3A_91] : memref<3x!tpu.dma_semaphore, #tpu.memory_space<semaphore_mem>> -> memref<1x!tpu.dma_semaphore, #tpu.memory_space<semaphore_mem>>
    %dma_wait3A_99 = tpu.memref_squeeze %dma_wait3A_98 : memref<1x!tpu.dma_semaphore, #tpu.memory_space<semaphore_mem>> -> memref<!tpu.dma_semaphore, #tpu.memory_space<semaphore_mem>>
    %dma_wait3A_100 = arith.constant 0 : i32
    %dma_wait3A_101 = tpu.memref_slice %arg7[%select_n3A, %dma_wait3A_100] : memref<262144x128xf32, #tpu.memory_space<hbm>> -> memref<64x128xf32, #tpu.memory_space<hbm>>
    %dma_wait3A_102 = arith.constant 0 : i32
    %dma_wait3A_103 = arith.constant 0 : i32
    %dma_wait3A_104 = tpu.memref_slice %arg10[%dma_wait3A, %dma_wait3A_102, %dma_wait3A_103] : memref<3x64x128xf32, #tpu.memory_space<vmem>> -> memref<1x64x128xf32, #tpu.memory_space<vmem>>
    %dma_wait3A_105 = tpu.memref_squeeze %dma_wait3A_104 : memref<1x64x128xf32, #tpu.memory_space<vmem>> -> memref<64x128xf32, #tpu.memory_space<vmem>>
    tpu.wait_dma2 semaphore(%dma_wait3A_99 : memref<!tpu.dma_semaphore, #tpu.memory_space<semaphore_mem>>) src(%dma_wait3A_105 : memref<64x128xf32, #tpu.memory_space<vmem>>) dst(%dma_wait3A_101 : memref<64x128xf32, #tpu.memory_space<hbm>>)
    %add3A_106 = arith.constant 16128 : i32
    %add3A_107 = arith.addi %mul3A_4, %add3A_106 : i32
    %jit3A_108 = arith.constant 2 : i32
    %div3A_109 = arith.divsi %add3A_107, %jit3A_108 : i32
    %sign3A_110 = arith.constant 0 : i32
    %sign3A_111 = arith.cmpi sgt, %add3A_107, %sign3A_110 : i32
    %sign3A_112 = arith.extui %sign3A_111 : i1 to i32
    %sign3A_113 = arith.constant 0 : i32
    %sign3A_114 = arith.cmpi slt, %add3A_107, %sign3A_113 : i32
    %sign3A_115 = arith.extui %sign3A_114 : i1 to i32
    %sign3A_116 = arith.subi %sign3A_112, %sign3A_115 : i32
    %sign3A_117 = arith.constant 0 : i32
    %sign3A_118 = arith.cmpi sgt, %jit3A_108, %sign3A_117 : i32
    %sign3A_119 = arith.extui %sign3A_118 : i1 to i32
    %sign3A_120 = arith.constant 0 : i32
    %sign3A_121 = arith.cmpi slt, %jit3A_108, %sign3A_120 : i32
    %sign3A_122 = arith.extui %sign3A_121 : i1 to i32
    %sign3A_123 = arith.subi %sign3A_119, %sign3A_122 : i32
    %ne3A_124 = arith.cmpi ne, %sign3A_116, %sign3A_123 : i32
    %rem3A_125 = arith.remsi %add3A_107, %jit3A_108 : i32
    %ne3A_126 = arith.constant 0 : i32
    %ne3A_127 = arith.cmpi ne, %rem3A_125, %ne3A_126 : i32
    %and3A_128 = arith.andi %ne3A_124, %ne3A_127 : i1
    %sub3A_129 = arith.constant 1 : i32
    %sub3A_130 = arith.subi %div3A_109, %sub3A_129 : i32
    %select_n3A_131 = arith.select %and3A_128, %sub3A_130, %div3A_109 : i32
    %dma_wait3A_132 = arith.constant 0 : i32
    %dma_wait3A_133 = arith.constant 0 : i32
    %dma_wait3A_134 = arith.constant 0 : i32
    %dma_wait3A_135 = arith.constant 0 : i32
    %dma_wait3A_136 = tpu.memref_slice %arg10[%dma_wait3A_132, %dma_wait3A_134, %dma_wait3A_135] : memref<3x64x128xf32, #tpu.memory_space<vmem>> -> memref<1x64x128xf32, #tpu.memory_space<vmem>>
    %dma_wait3A_137 = tpu.memref_squeeze %dma_wait3A_136 : memref<1x64x128xf32, #tpu.memory_space<vmem>> -> memref<64x128xf32, #tpu.memory_space<vmem>>
    %dma_wait3A_138 = arith.constant 0 : i32
    %dma_wait3A_139 = tpu.memref_slice %arg7[%select_n3A_131, %dma_wait3A_138] : memref<262144x128xf32, #tpu.memory_space<hbm>> -> memref<64x128xf32, #tpu.memory_space<hbm>>
    %dma_wait3A_140 = tpu.memref_slice %arg15[%dma_wait3A_133] : memref<3x!tpu.dma_semaphore, #tpu.memory_space<semaphore_mem>> -> memref<1x!tpu.dma_semaphore, #tpu.memory_space<semaphore_mem>>
    %dma_wait3A_141 = tpu.memref_squeeze %dma_wait3A_140 : memref<1x!tpu.dma_semaphore, #tpu.memory_space<semaphore_mem>> -> memref<!tpu.dma_semaphore, #tpu.memory_space<semaphore_mem>>
    %dma_wait3A_142 = arith.constant 0 : i32
    %dma_wait3A_143 = tpu.memref_slice %arg7[%select_n3A_131, %dma_wait3A_142] : memref<262144x128xf32, #tpu.memory_space<hbm>> -> memref<64x128xf32, #tpu.memory_space<hbm>>
    %dma_wait3A_144 = arith.constant 0 : i32
    %dma_wait3A_145 = arith.constant 0 : i32
    %dma_wait3A_146 = tpu.memref_slice %arg10[%dma_wait3A_132, %dma_wait3A_144, %dma_wait3A_145] : memref<3x64x128xf32, #tpu.memory_space<vmem>> -> memref<1x64x128xf32, #tpu.memory_space<vmem>>
    %dma_wait3A_147 = tpu.memref_squeeze %dma_wait3A_146 : memref<1x64x128xf32, #tpu.memory_space<vmem>> -> memref<64x128xf32, #tpu.memory_space<vmem>>
    tpu.wait_dma2 semaphore(%dma_wait3A_141 : memref<!tpu.dma_semaphore, #tpu.memory_space<semaphore_mem>>) src(%dma_wait3A_147 : memref<64x128xf32, #tpu.memory_space<vmem>>) dst(%dma_wait3A_143 : memref<64x128xf32, #tpu.memory_space<hbm>>)
    %add3A_148 = arith.constant 16256 : i32
    %add3A_149 = arith.addi %mul3A_4, %add3A_148 : i32
    %jit3A_150 = arith.constant 2 : i32
    %div3A_151 = arith.divsi %add3A_149, %jit3A_150 : i32
    %sign3A_152 = arith.constant 0 : i32
    %sign3A_153 = arith.cmpi sgt, %add3A_149, %sign3A_152 : i32
    %sign3A_154 = arith.extui %sign3A_153 : i1 to i32
    %sign3A_155 = arith.constant 0 : i32
    %sign3A_156 = arith.cmpi slt, %add3A_149, %sign3A_155 : i32
    %sign3A_157 = arith.extui %sign3A_156 : i1 to i32
    %sign3A_158 = arith.subi %sign3A_154, %sign3A_157 : i32
    %sign3A_159 = arith.constant 0 : i32
    %sign3A_160 = arith.cmpi sgt, %jit3A_150, %sign3A_159 : i32
    %sign3A_161 = arith.extui %sign3A_160 : i1 to i32
    %sign3A_162 = arith.constant 0 : i32
    %sign3A_163 = arith.cmpi slt, %jit3A_150, %sign3A_162 : i32
    %sign3A_164 = arith.extui %sign3A_163 : i1 to i32
    %sign3A_165 = arith.subi %sign3A_161, %sign3A_164 : i32
    %ne3A_166 = arith.cmpi ne, %sign3A_158, %sign3A_165 : i32
    %rem3A_167 = arith.remsi %add3A_149, %jit3A_150 : i32
    %ne3A_168 = arith.constant 0 : i32
    %ne3A_169 = arith.cmpi ne, %rem3A_167, %ne3A_168 : i32
    %and3A_170 = arith.andi %ne3A_166, %ne3A_169 : i1
    %sub3A_171 = arith.constant 1 : i32
    %sub3A_172 = arith.subi %div3A_151, %sub3A_171 : i32
    %select_n3A_173 = arith.select %and3A_170, %sub3A_172, %div3A_151 : i32
    %dma_wait3A_174 = arith.constant 1 : i32
    %dma_wait3A_175 = arith.constant 1 : i32
    %dma_wait3A_176 = arith.constant 0 : i32
    %dma_wait3A_177 = arith.constant 0 : i32
    %dma_wait3A_178 = tpu.memref_slice %arg10[%dma_wait3A_174, %dma_wait3A_176, %dma_wait3A_177] : memref<3x64x128xf32, #tpu.memory_space<vmem>> -> memref<1x64x128xf32, #tpu.memory_space<vmem>>
    %dma_wait3A_179 = tpu.memref_squeeze %dma_wait3A_178 : memref<1x64x128xf32, #tpu.memory_space<vmem>> -> memref<64x128xf32, #tpu.memory_space<vmem>>
    %dma_wait3A_180 = arith.constant 0 : i32
    %dma_wait3A_181 = tpu.memref_slice %arg7[%select_n3A_173, %dma_wait3A_180] : memref<262144x128xf32, #tpu.memory_space<hbm>> -> memref<64x128xf32, #tpu.memory_space<hbm>>
    %dma_wait3A_182 = tpu.memref_slice %arg15[%dma_wait3A_175] : memref<3x!tpu.dma_semaphore, #tpu.memory_space<semaphore_mem>> -> memref<1x!tpu.dma_semaphore, #tpu.memory_space<semaphore_mem>>
    %dma_wait3A_183 = tpu.memref_squeeze %dma_wait3A_182 : memref<1x!tpu.dma_semaphore, #tpu.memory_space<semaphore_mem>> -> memref<!tpu.dma_semaphore, #tpu.memory_space<semaphore_mem>>
    %dma_wait3A_184 = arith.constant 0 : i32
    %dma_wait3A_185 = tpu.memref_slice %arg7[%select_n3A_173, %dma_wait3A_184] : memref<262144x128xf32, #tpu.memory_space<hbm>> -> memref<64x128xf32, #tpu.memory_space<hbm>>
    %dma_wait3A_186 = arith.constant 0 : i32
    %dma_wait3A_187 = arith.constant 0 : i32
    %dma_wait3A_188 = tpu.memref_slice %arg10[%dma_wait3A_174, %dma_wait3A_186, %dma_wait3A_187] : memref<3x64x128xf32, #tpu.memory_space<vmem>> -> memref<1x64x128xf32, #tpu.memory_space<vmem>>
    %dma_wait3A_189 = tpu.memref_squeeze %dma_wait3A_188 : memref<1x64x128xf32, #tpu.memory_space<vmem>> -> memref<64x128xf32, #tpu.memory_space<vmem>>
    tpu.wait_dma2 semaphore(%dma_wait3A_183 : memref<!tpu.dma_semaphore, #tpu.memory_space<semaphore_mem>>) src(%dma_wait3A_189 : memref<64x128xf32, #tpu.memory_space<vmem>>) dst(%dma_wait3A_185 : memref<64x128xf32, #tpu.memory_space<hbm>>)
    return
  }
}

</mosaic_0001>

<sc_bundles>
// kernel: kernel.3.cloned.1.call-start
scs
__scs_entry_jumppad:
0x0: {  	(pc) =	sbr.rel $0x88, $3  }
0x1: {  	(tag) =	ssettag $0x0;
	lr =	simm.s32 $0x1  }
0x2: {  	[smem:$0x3F9C] =	sst lr;
	_ =	strace $0xD0000000  }
0x3: {  	_ = 	snop  }
0x4: {  	_ = 	snop  }
0x5: {  	_ = 	snop  }
0x6: {  	_ = 	snop  }
0x7: {  	_ = 	snop  }
__scs_overlays_trampoline_lowered:
0x8: {  	[smem:$0x3FAB] =	sst s0  }
0x9: {  	[smem:$0x3FAC] =	sst s1  }
0xa: {  	[smem:$0x3FAD] =	sst s2  }
0xb: {  	[smem:$0x3FAE] =	sst s3  }
0xc: {  	[smem:$0x3FAF] =	sst s4  }
0xd: {  	[smem:$0x3FB0] =	sst s5  }
0xe: {  	[smem:$0x3FB1] =	sst s6  }
0xf: {  	[smem:$0x3FB2] =	sst s7  }
0x10: {  	[smem:$0x3FB3] =	sst s8  }
0x11: {  	[smem:$0x3FB4] =	sst s9;
	s0 =	simm.s32 @!p0 $0x0  }
0x12: {  	s1 =	sld [smem:$0x3F9A];
	s0 =	simm.s32 @p0 $0x1  }
0x13: {  	[smem:$0x3FB5] =	sst s0;
	s0 =	simm.s32 @!p1 $0x0  }
0x14: {  	s2 =	sld [smem:$0x3F99];
	s0 =	simm.s32 @p1 $0x1  }
0x15: {  	[smem:$0x3FB6] =	sst s0;
	s0 =	simm.s32 @!p2 $0x0  }
0x16: {  	s3 =	sld [smem:$0x3FDB];
	s0 =	simm.s32 @p2 $0x1  }
0x17: {  	s4 =	simm.s32 $0x1BF5;
	[smem:$0x3FB8] =	sst s0  }
0x18: {  	s0 =	sld [smem:$0x3F9B];
	_ =	swait.ge [sflag:s4], $0x0  }
0x19: {  	s7 =	sld [smem:$0x3F9C]  }
0x1a: {  	s8 =	sadd.s32 $0xFFFFE003, lr  }
0x1b: {  	s9 =	sadd.s32 $0xFFFFFEF7, lr;
	s5 =	simm.s32 $0xFFFFFFFF;
	p2 =	slt.u32 s8, $0xFFFFF086  }
0x1c: {  	p1 =	slt.u32 s9, $0xF7A;
	s5 =	simm.s32 @!p2 $0x0  }
0x1d: {  	s5 =	simm.s32 @p1 $0x1;
	p0 =	seq.s32 s7, s2  }
0x1e: {  	s7 =	smul.u32 @!p0 $0xF7A, s2;
	p2 =	seq.s32 @!p0 s5, $0x0  }
0x1f: {  	s9 =	smul.u32 $0xF7A, s1;
	s8 =	simm.s32 @!p0 $0x1BF5;
	p2 =	por !p2, p0  }
0x20: {  	[sflag:s8] =	ssyncset.s32 @!p0 $0xFFFFF086;
	s6 =	sadd.s32 @!p0 s3, s7;
	s7 =	simm.s32 @!p0 $0x108  }
0x21: {  	s3 =	sadd.s32 s3, s9;
	s6 =	sadd.s32 @!p0 $0x88, s6;
	s7 =	simm.s32 @p2 $0x1082  }
0x22: {  	[simem:s7], [sflag:s8] =	dma.local @!p0 [hbm:s6], $0xF7A  }
0x23: {  	s9 =	sor.u32 $0xD0000000, s2;
	s6 =	simm.s32 $0x108;
	_ =	swait.ge @!p0 [sflag:s8], $0x0  }
0x24: {  	s3 =	sadd.s32 $0x88, s3;
	s6 =	simm.s32 @!p1 $0x1082;
	[sflag:s4] =	ssyncset.s32 $0xFFFFF086  }
0x25: {  	[simem:s6], [sflag:s4] =	dma.local [hbm:s3], $0xF7A  }
0x26: {  	[smem:$0x3F9C] =	sst s1;
	(tag) =	ssettag s2;
	_ =	strace s9  }
0x27: {  	s1 =	sld [smem:$0x3FAC]  }
0x28: {  	s2 =	sld [smem:$0x3FAD]  }
0x29: {  	s4 =	sld [smem:$0x3FAF]  }
0x2a: {  	p0 =	seq.s32 s5, $0x0;
	s5 =	sld [smem:$0x3FB0]  }
0x2b: {  	s6 =	sld [smem:$0x3FB1]  }
0x2c: {  	s7 =	sld [smem:$0x3FB2]  }
0x2d: {  	s3 =	simm.s32 $0x108;
	s8 =	sld [smem:$0x3FB3]  }
0x2e: {  	s3 =	simm.s32 @!p0 $0x1082;
	s9 =	sld [smem:$0x3FB4]  }
0x2f: {  	lr =	sadd.s32 s0, s3;
	s0 =	sld [smem:$0x3FAB]  }
0x30: {  	s3 =	sld [smem:$0x3FAE]  }
0x31: {  	[smem:$0x3FB7] =	sst s10  }
0x32: {  	s10 =	sld [smem:$0x3FB5];
	_ =	sdelay $0x3  }
0x33: {  	p0 =	seq.s32 s10, $0x1;
	s10 =	sld [smem:$0x3FB7];
	_ =	sdelay $0x3  }
0x34: {  	[smem:$0x3FB7] =	sst s10  }
0x35: {  	s10 =	sld [smem:$0x3FB6];
	_ =	sdelay $0x3  }
0x36: {  	p1 =	seq.s32 s10, $0x1;
	s10 =	sld [smem:$0x3FB7];
	_ =	sdelay $0x3  }
0x37: {  	[smem:$0x3FB7] =	sst s10  }
0x38: {  	s10 =	sld [smem:$0x3FB8]  }
0x39: {  	_ = 	snop;
	(pc) =	sbr.ind lr, $3  }
0x3a: {  	_ = 	snop  }
0x3b: {  	_ = 	snop  }
0x3c: {  	p2 =	seq.s32 s10, $0x1;
	s10 =	sld [smem:$0x3FB7]  }
0x3d: {  	_ =	shalt  }
0x3e: {  	_ =	shalt  }
0x3f: {  	_ =	shalt  }
0x40: {  	_ =	shalt  }
0x41: {  	_ =	shalt  }
0x42: {  	_ =	shalt  }
0x43: {  	_ =	shalt  }
0x44: {  	_ =	shalt  }
0x45: {  	_ =	shalt  }
0x46: {  	_ =	shalt  }
0x47: {  	_ =	shalt  }
0x48: {  	_ =	shalt  }
0x49: {  	_ =	shalt  }
0x4a: {  	_ =	shalt  }
0x4b: {  	_ =	shalt  }
0x4c: {  	_ =	shalt  }
0x4d: {  	_ =	shalt  }
0x4e: {  	_ =	shalt  }
0x4f: {  	_ =	shalt  }
0x50: {  	_ =	shalt  }
0x51: {  	_ =	shalt  }
0x52: {  	_ =	shalt  }
0x53: {  	_ =	shalt  }
0x54: {  	_ =	shalt  }
0x55: {  	_ =	shalt  }
0x56: {  	_ =	shalt  }
0x57: {  	_ =	shalt  }
0x58: {  	_ =	shalt  }
0x59: {  	_ =	shalt  }
0x5a: {  	_ =	shalt  }
0x5b: {  	_ =	shalt  }
0x5c: {  	_ =	shalt  }
0x5d: {  	_ =	shalt  }
0x5e: {  	_ =	shalt  }
0x5f: {  	_ =	shalt  }
0x60: {  	_ =	shalt  }
0x61: {  	_ =	shalt  }
0x62: {  	_ =	shalt  }
0x63: {  	_ =	shalt  }
0x64: {  	_ =	shalt  }
0x65: {  	_ =	shalt  }
0x66: {  	_ =	shalt  }
0x67: {  	_ =	shalt  }
0x68: {  	_ =	shalt  }
0x69: {  	_ =	shalt  }
0x6a: {  	_ =	shalt  }
0x6b: {  	_ =	shalt  }
0x6c: {  	_ =	shalt  }
0x6d: {  	_ =	shalt  }
0x6e: {  	_ =	shalt  }
0x6f: {  	_ =	shalt  }
0x70: {  	_ =	shalt  }
0x71: {  	_ =	shalt  }
0x72: {  	_ =	shalt  }
0x73: {  	_ =	shalt  }
0x74: {  	_ =	shalt  }
0x75: {  	_ =	shalt  }
0x76: {  	_ =	shalt  }
0x77: {  	_ =	shalt  }
0x78: {  	_ =	shalt  }
0x79: {  	_ =	shalt  }
0x7a: {  	_ =	shalt  }
0x7b: {  	_ =	shalt  }
0x7c: {  	_ =	shalt  }
0x7d: {  	_ =	shalt  }
0x7e: {  	_ =	shalt  }
0x7f: {  	_ =	shalt  }
0x80: {  	_ =	shalt  }
0x81: {  	_ =	shalt  }
0x82: {  	_ =	shalt  }
0x83: {  	_ =	shalt  }
0x84: {  	_ =	shalt  }
0x85: {  	_ =	shalt  }
0x86: {  	_ =	shalt  }
0x87: {  	_ =	shalt  }
.Lfunc_end0:
.L_simem_size_0:
called_computation.1_lowered:
.L_overlay_start_0:
0x88: {  	s2 =	sld [smem:$0x3FD9]  }
0x89: {  	s3 =	sld [smem:$0x3FFE];
	_ =	sdelay $0x1  }
0x8a: {  	s1 =	srdreg.scid  }
0x8b: {  	s0 =	sand.u32 $0x1, s1  }
0x8c: {  	s17 =	sshll.u32 s0, $0xA;
	s2 =	sadd.s32 s3, s2  }
0x8d: {  	s2 =	sadd.s32 s2, s17  }
0x8e: {  	[smem:$0x3FC3] =	sst s2  }
0x8f: {  	_ = 	snop  }
0x90: {  	s2 =	sld [smem:$0x3FC6]  }
0x91: {  	s18 =	sld [smem:$0x3FC5]  }
0x92: {  	s4 =	sld [smem:$0x3FD0];
	(tm) =	ssettm $0x1  }
0x93: {  	s5 =	sld [smem:$0x3FFB];
	_ =	sdelay $0x3  }
0x94: {  	_ =	strace s5  }
0x95: {  	s5 =	sld [smem:$0x3FFC];
	_ =	sdelay $0x3  }
0x96: {  	_ =	strace s5  }
0x97: {  	s5 =	sld [smem:$0x3FFD];
	_ =	sdelay $0x3  }
0x98: {  	_ =	strace s5  }
0x99: {  	_ =	strace $0x8FFFFFFF  }
0x9a: {  	s19 =	sld [smem:$0x3FDB];
	_ =	sdelay $0x1  }
0x9b: {  	s6 =	simm.s32 $_scs_section_size  }
0x9c: {  	s7 =	simm.s32 $_size__tile_overlayer_lowered;
	s8 =	simm.s32 $_tile_overlayer_lowered  }
0x9d: {  	s22 =	simm.s32 $0x1BFF;
	s21 =	sshll.u32 s8, $0x1;
	s5 =	sadd.s32 s6, s19  }
0x9e: {  	s9 =	simm.s32 $0x0;
	s20 =	sshll.u32 s7, $0x1;
	s7 =	sadd.s32 s21, s5  }
0x9f: {  	[timem:s9], [sflag:s22] =	dma.local [hbm:s7], s20  }
0xa0: {  	_ =	swait.ge [sflag:s22], s20  }
0xa1: {  	s6 =	ssub.s32 $0x0, s20;
	[sflag:s22] =	ssyncset.done $0x0  }
0xa2: {  	[sflag:s22] =	ssyncadd.s32 s6;
	_ =	sdelay $0x1  }
0xa3: {  	s23 =	simm.s32 $0x1B8B  }
0xa4: {  	_ =	swait.ge [sflag:s23], $0x1  }
0xa5: {  	[sflag:s23] =	ssyncset.done $0x0  }
0xa6: {  	s25 =	simm.s32 $0x1B8E;
	s24 =	sld [smem:$0x3FFE];
	[sflag:s23] =	ssyncadd.s32 $0xFFFFFFFF  }
0xa7: {  	s26 =	simm.s32 $execute0_lowered;
	[smem:$0x3FD2] =	sst s25  }
0xa8: {  	s7 =	sshll.u32 s26, $0x1;
	_ =	strace $0x80000046;
	[dreg:$0x1] =	wrdreg $0xFFFFFFFF  }
0xa9: {  	s28 =	simm.s32 $_size_execute0_lowered;
	s5 =	sadd.s32 s5, s7;
	[dreg:$0x0] =	wrdreg $0x0  }
0xaa: {  	s7 =	sshll.u32 s28, $0x1;
	[dreg:$0x2] =	wrdreg s5  }
0xab: {  	[dreg:$0x3] =	wrdreg s7  }
0xac: {  	[dreg:$0x4] =	wrdreg $0xC0  }
0xad: {  	_ =	task [dreg:s9], $0x5FFFF  }
0xae: {  	[dreg:$0x1] =	wrdreg $0xFFFFFFFF  }
0xaf: {  	[dreg:$0x0] =	wrdreg $0x60  }
0xb0: {  	[dreg:$0x2] =	wrdreg s24  }
0xb1: {  	[dreg:$0x3] =	wrdreg s2  }
0xb2: {  	[dreg:$0x4] =	wrdreg s18  }
0xb3: {  	[dreg:$0x5] =	wrdreg s4  }
0xb4: {  	[dreg:$0x6] =	wrdreg $0x9  }
0xb5: {  	_ =	task.clear_ibuf [dreg:s9], $0x7FFFF;
	_ =	strace $0x90000046  }
0xb6: {  	s29 =	simm.s32 $0x9;
	_ =	strace $0x80000048  }
0xb7: {  	_ =	swait.ge [sflag:s29], $0x1  }
0xb8: {  	[sflag:s29] =	ssyncadd.s32 $0xFFFFFFFF  }
0xb9: {  	_ =	strace $0x90000048  }
0xba: {  	_ =	sfence  }
0xbb: {  	s30 =	sld [smem:$0x0];
	_ =	sdelay $0x2  }
0xbc: {  	s31 =	sshll.u32 s1, $0xD;
	s1 =	sshrl.u32 s1, $0x2  }
0xbd: {  	s3 =	sand.u32 $0x4000, s31;
	s1 =	sadd.s32 s1, s30  }
0xbe: {  	s0 =	sor.u32 s3, s0;
	s1 =	sshll.u32 s1, $0x11  }
0xbf: {  	s0 =	sor.u32 s1, s0  }
0xc0: {  	s0 =	sadd.s32 $0x8F2B, s0  }
0xc1: {  	[sflag:s0] =	ssyncadd.remote.s32 $0x1  }
0xc2: {  	_ =	sfence.sel $0xFFFF  }
0xc3: {  	[dreg:$0x0] =	wrdreg $0xFFFFFFFF;
	(pc) =	sbr.abs _section_cstart, $3  }
0xc4: {  	[dreg:$0x1] =	wrdreg $0xFFFFFFFF  }
0xc5: {  	_ =	task.clear_ibuf [dreg:s9], $0x2FFFF;
	_ =	strace $0x9FFFFFFF  }
0xc6: {  	(tm) =	ssettm $0x7FFFFFFF  }
0xc7: {  	_ =	shalt  }
tec
execute0_lowered:
.L_overlay_start_1:
0x0: {  	(tag) =	ssettag $0x1  }
0x1: {  	s2 =	rddreg [dreg:$0x0]  }
0x2: {  	s0 =	rddreg [dreg:$0x1]  }
0x3: {  	s1 =	rddreg [dreg:$0x2]  }
0x4: {  	v0 =	vimm.s32 $0xFEDCBA98;
	s4 =	rddreg [dreg:$0x3];
	v1 =	vimm.s32 $0x76543210;
	v2 =	vimm.s32 $0xBA98FEDC  }
0x5: {  	s3 =	simm.s32 $0x0;
	s5 =	srdreg.scid;
	s6 =	stileid.u32;
	v3 =	vimm.s32 $0x32107654;
	v4 =	vimm.s32 $0xDCFE98BA;
	v5 =	vimm.s32 $0x54761032  }
0x6: {  	v6 =	vimm.s32 $0xEFCDAB89;
	v7 =	vimm.s32 $0x67452301;
	s10 =	simm.s32 $0x7;
	s11 =	simm.s32 $0x16000;
	s12 =	simm.s32 $0x16100  }
0x7: {  	s13 =	simm.s32 $0x16140;
	s14 =	simm.s32 $0x80;
	s15 =	simm.s32 $0x8000;
	v0 =	vunpack.c.l.s4.s8 v0;
	v1 =	vunpack.c.l.s4.s8 v1;
	v2 =	vunpack.c.l.s4.s8 v2  }
0x8: {  	s16 =	simm.s32 $0x100;
	s17 =	simm.s32 $0xC000;
	s18 =	simm.s32 $0x6;
	v3 =	vunpack.c.l.s4.s8 v3;
	v4 =	vunpack.c.l.s4.s8 v4;
	v5 =	vunpack.c.l.s4.s8 v5  }
0x9: {  	s19 =	simm.s32 $0x4;
	s20 =	simm.s32 $0x5;
	s21 =	simm.s32 $0x0;
	v6 =	vunpack.c.l.s4.s8 v6;
	v7 =	vunpack.c.l.s4.s8 v7;
	v0 =	vunpack.c.0.s8.s32 v0  }
0xa: {  	[smem:$0x7FF] =	sst s3;
	s5 =	sand.u32 $0x1, s5;
	s6 =	sshll.u32 s6, $0x1;
	v2 =	vunpack.c.0.s8.s32 v2;
	v3 =	vunpack.c.0.s8.s32 v3;
	v4 =	vunpack.c.0.s8.s32 v4  }
0xb: {  	s7 =	sor.u32 s5, s6;
	_ =	strace $0x80000047;
	s9 =	ssub.s32 $0x2, s5;
	v5 =	vunpack.c.0.s8.s32 v5;
	v6 =	vunpack.c.0.s8.s32 v6;
	v7 =	vunpack.c.0.s8.s32 v7  }
0xc: {  	s5 =	sadd.s32 $0xF53400, s2;
	s6 =	sshll.u32 s7, $0xB;
	s8 =	sshll.u32 s7, $0x5;
	v1 =	vunpack.c.0.s8.s32 v1;
	v2 =	vcombine.low v3, v2  }
0xd: {  	s30 =	sshrl.u32 s9, $0x1;
	s31 =	sshll.u32 s7, $0x11;
	s6 =	sadd.s32 s6, s2;
	v3 =	vcombine.low v5, v4;
	v4 =	vcombine.low v7, v6;
	v0 =	vand.u32 $0xF, v0  }
0xe: {  	s2 =	sadd.s32 s8, s2;
	s9 =	ssub.s32 s9, s30;
	s8 =	sadd.s32 s4, s31;
	v15 =	vcombine.low v0, v1  }
0xf: {  	s6 =	sadd.s32 $0xF43000, s6;
	s7 =	sadd.s32 $0xF53000, s2;
	s9 =	smax.u32 s9, $0x1;
	v16 =	vand.u32 $0xF, v2;
	v2 =	vand.u32 $0xF, v3;
	v3 =	vand.u32 $0xF, v4  }
.LBB2_1:
0x10: {  	[tilespmem:s3], [sflag:$0x7] =	stream.linear.gather [hbm4b:s6+s3], $0x4000, $0x38;
	[tilespmem:$0x16180] =	vst v63  }
0x11: {  	_ =	swait.ge [sflag:s10], $0x4000  }
0x12: {  	[sflag:s10] =	ssyncset.done $0x0  }
0x13: {  	[sflag:s10] =	ssyncadd.s32 $0xFFFFC000  }
0x14: {  	[tilespmem:s11], [sflag:$0x7] =	stream.linear.gather [hbm4b:s7+s3], $0x100, $0x38;
	[tilespmem:$0x16180] =	vst v63  }
0x15: {  	_ =	swait.ge [sflag:s10], $0x100  }
0x16: {  	[sflag:s10] =	ssyncset.done $0x0  }
0x17: {  	[sflag:s10] =	ssyncadd.s32 $0xFFFFFF00  }
0x18: {  	[tilespmem:s12], [sflag:$0x7] =	stream.linear.gather [hbm4b:s0+s3], $0x40, $0x38;
	[tilespmem:$0x16180] =	vst v63  }
0x19: {  	_ =	swait.ge [sflag:s10], $0x40  }
0x1a: {  	[sflag:s10] =	ssyncset.done $0x0  }
0x1b: {  	[sflag:s10] =	ssyncadd.s32 $0xFFFFFFC0  }
0x1c: {  	[tilespmem:s13], [sflag:$0x7] =	stream.linear.gather [hbm4b:s1+s3], $0x40, $0x38;
	[tilespmem:$0x16180] =	vst v63  }
0x1d: {  	_ =	swait.ge [sflag:s10], $0x40  }
0x1e: {  	[sflag:s10] =	ssyncset.done $0x0  }
0x1f: {  	[sflag:s10] =	ssyncadd.s32 $0xFFFFFFC0  }
0x20: {  	v0 =	vld [tilespmem:$0x16100];
	_ =	sdelay $0x4  }
0x21: {  	[tilespmem:$0x1FF80] =	vst v0;
	v0 =	vld [tilespmem:$0x16110];
	_ =	sdelay $0x4  }
0x22: {  	[tilespmem:$0x1FF90] =	vst v0;
	v0 =	vld [tilespmem:$0x16120];
	_ =	sdelay $0x4  }
0x23: {  	[tilespmem:$0x1FFA0] =	vst v0;
	v0 =	vld [tilespmem:$0x16130];
	_ =	sdelay $0x4  }
0x24: {  	[tilespmem:$0x1FFB0] =	vst v0;
	v0 =	vld [tilespmem:$0x16140];
	_ =	sdelay $0x4  }
0x25: {  	[tilespmem:$0x1FFC0] =	vst v0;
	v0 =	vld [tilespmem:$0x16150];
	_ =	sdelay $0x4  }
0x26: {  	[tilespmem:$0x1FFD0] =	vst v0;
	v0 =	vld [tilespmem:$0x16160];
	_ =	sdelay $0x3  }
0x27: {  	s22 =	simm.s32 $0x4000  }
0x28: {  	[tilespmem:$0x1FFE0] =	vst v0;
	v0 =	vld [tilespmem:$0x16170];
	[tilespmem:s22], [sflag:$0x1] =	stream.indirect.gather [hbm4b:s5+s14], $0x80, s3, s14, $0xb8  }
0x29: {  	_ = 	snop  }
0x2a: {  	[tilespmem:s15], [sflag:$0x2] =	stream.indirect.gather [hbm4b:s5+s14], $0x80, s14, s14, $0xb8;
	[tilespmem:$0x16180] =	vst v63  }
0x2b: {  	_ = 	snop  }
0x2c: {  	[tilespmem:s17], [sflag:$0x3] =	stream.indirect.gather [hbm4b:s5+s14], $0x80, s16, s14, $0xb8;
	[tilespmem:$0x16180] =	vst v63  }
0x2d: {  	s23 =	simm.s32 $0x10000;
	s24 =	simm.s32 $0x0;
	[tilespmem:$0x1FFF0] =	vst v0  }
.LBB2_2:
0x2e: {  	s2 =	smul.u32 $0xAB, s24;
	_ =	sdelay $0x1  }
0x2f: {  	s2 =	sshrl.u32 s2, $0x9  }
0x30: {  	s2 =	sand.u32 $0x7F, s2  }
0x31: {  	s25 =	smul.u32 $0x3, s2  }
0x32: {  	s4 =	smulhi.u32 $0xAAAAAAAB, s24  }
0x33: {  	s26 =	ssub.s32 s24, s25  }
0x34: {  	s2 =	sshrl.u32 s4, $0x1;
	s26 =	sand.u32 $0xFF, s26  }
0x35: {  	s28 =	smul.u32 $0xFFFD0000, s2;
	s25 =	sadd.s32 $0x1, s26  }
0x36: {  	_ =	swait.ge [sflag:s25], $0x4000  }
0x37: {  	s4 =	sshra.s32 s28, $0x2;
	s28 =	sshll.u32 s24, $0x1;
	[sflag:s25] =	ssyncset.done $0x0  }
0x38: {  	v12 =	vmov s4;
	s4 =	sand.u32 $0xC0, s28;
	[sflag:s25] =	ssyncadd.s32 $0xFFFFC000  }
0x39: {  	v54 =	vld [tilespmem:s4+$0x16000]  }
0x3a: {  	v55 =	vld [tilespmem:s4+$0x16010]  }
0x3b: {  	v56 =	vld [tilespmem:s4+$0x16020]  }
0x3c: {  	v57 =	vld [tilespmem:s4+$0x16030]  }
0x3d: {  	v4 =	vld.idx.msk [tilespmem:v12+s22+$0x180 ss:$0x1], $0xffff  }
0x3e: {  	v5 =	vld.idx.msk [tilespmem:v12+s22+$0x190 ss:$0x1], $0xffff  }
0x3f: {  	v6 =	vld.idx.msk [tilespmem:v12+s22+$0x1A0 ss:$0x1], $0xffff  }
0x40: {  	v7 =	vld.idx.msk [tilespmem:v12+s22+$0x1B0 ss:$0x1], $0xffff  }
0x41: {  	v8 =	vld.idx.msk [tilespmem:v12+s22+$0x10 ss:$0x1], $0xffff  }
0x42: {  	v9 =	vld.idx.msk [tilespmem:v12+s22+$0x20 ss:$0x1], $0xffff  }
0x43: {  	v10 =	vld.idx.msk [tilespmem:v12+s22+$0x30 ss:$0x1], $0xffff  }
0x44: {  	v11 =	vld.idx.msk [tilespmem:v12+s22+$0x80 ss:$0x1], $0xffff  }
0x45: {  	v19 =	vld.idx.msk [tilespmem:v12+s22+$0x90 ss:$0x1], $0xffff  }
0x46: {  	v20 =	vld.idx.msk [tilespmem:v12+s22+$0xA0 ss:$0x1], $0xffff;
	v4 =	vmul.f32 $8.000000000e+00, v4;
	v5 =	vmul.f32 $8.000000000e+00, v5  }
0x47: {  	v21 =	vld.idx.msk [tilespmem:v12+s22+$0x100 ss:$0x1], $0xffff;
	v17 =	vmul.f32 $8.000000000e+00, v6;
	v18 =	vmul.f32 $8.000000000e+00, v7  }
0x48: {  	v27 =	vld.idx.msk [tilespmem:v12+s22+$0x120 ss:$0x1], $0xffff;
	v8 =	vmul.f32 $8.000000000e+00, v8;
	v9 =	vmul.f32 $8.000000000e+00, v9  }
0x49: {  	v46 =	vld.idx.msk [tilespmem:v12+s22+$0xB0 ss:$0x1], $0xffff;
	v10 =	vmul.f32 $8.000000000e+00, v10;
	v11 =	vmul.f32 $8.000000000e+00, v11  }
0x4a: {  	v48 =	vld.idx.msk [tilespmem:v12+s22+$0x0 ss:$0x1], $0xffff;
	v19 =	vmul.f32 $8.000000000e+00, v19;
	v7 =	vadd.f32 v4, v54;
	v6 =	vadd.f32 v5, v55  }
0x4b: {  	v20 =	vmul.f32 $8.000000000e+00, v20;
	v5 =	vadd.f32 v17, v56;
	v4 =	vadd.f32 v18, v57  }
0x4c: {  	v21 =	vmul.f32 $8.000000000e+00, v21;
	v41 =	vadd.f32 v8, v55;
	v39 =	vadd.f32 v9, v56  }
0x4d: {  	v52 =	vmul.f32 $8.000000000e+00, v27;
	v40 =	vadd.f32 v10, v57;
	v38 =	vadd.f32 v11, v54  }
0x4e: {  	v17 =	vmul.f32 $8.000000000e+00, v46;
	v36 =	vadd.f32 v19, v55;
	v37 =	vadd.f32 v20, v56  }
0x4f: {  	v18 =	vmul.f32 $8.000000000e+00, v48;
	v33 =	vadd.f32 v21, v54;
	v32 =	vadd.f32 v52, v56  }
0x50: {  	v47 =	vadd.f32 v6, v7;
	v23 =	vmul.f32 v7, v7;
	v24 =	vmul.f32 v6, v6  }
0x51: {  	v22 =	vadd.f32 v4, v5;
	v25 =	vmul.f32 v5, v5;
	v26 =	vmul.f32 v4, v4  }
0x52: {  	v35 =	vadd.f32 v17, v57;
	v42 =	vadd.f32 v18, v54;
	v58 =	vmul.f32 v41, v41  }
0x53: {  	v8 =	vld.idx.msk [tilespmem:v12+s22+$0x110 ss:$0x1], $0xffff;
	v61 =	vmul.f32 v40, v40;
	v63 =	vadd.f32 v36, v38;
	v9 =	vadd.f32 v22, v47  }
0x54: {  	v10 =	vld.idx.msk [tilespmem:v12+s22+$0x130 ss:$0x1], $0xffff;
	v27 =	vmul.f32 v37, v37;
	v49 =	vadd.f32 v24, v23;
	v50 =	vadd.f32 v26, v25  }
0x55: {  	v30 =	vmul.f32 v33, v33;
	v18 =	vadd.f32 v41, v42;
	v59 =	vmul.f32 v42, v42  }
0x56: {  	v24 =	vmul.f32 v38, v38;
	v22 =	vadd.f32 v50, v49;
	v51 =	vperm.xlane v9, v15  }
0x57: {  	v34 =	vadd.f32 v35, v37;
	v25 =	vmul.f32 v36, v36;
	v28 =	vmul.f32 v35, v35  }
0x58: {  	v8 =	vmul.f32 $8.000000000e+00, v8;
	v9 =	vadd.f32 v9, v51;
	v11 =	vperm.xlane v22, v15  }
0x59: {  	v10 =	vmul.f32 $8.000000000e+00, v10;
	v17 =	vadd.f32 v58, v59;
	v47 =	vadd.f32 v34, v63  }
0x5a: {  	v48 =	vadd.f32 v25, v24;
	v53 =	vperm.xlane v9, v16;
	v11 =	vadd.f32 v11, v22  }
0x5b: {  	v46 =	vmul.f32 v32, v32;
	v24 =	vadd.f32 v28, v27;
	v1 =	vadd.f32 v8, v55  }
0x5c: {  	v0 =	vadd.f32 v10, v57;
	v8 =	vadd.f32 v9, v53;
	v9 =	vperm.xlane v11, v16  }
0x5d: {  	v10 =	vadd.f32 v40, v39;
	v51 =	vperm.xlane v47, v15;
	v21 =	vadd.f32 v24, v48  }
0x5e: {  	v45 =	vadd.f32 v1, v33;
	v60 =	vperm.xlane v8, v2;
	v9 =	vadd.f32 v9, v11  }
0x5f: {  	v29 =	vadd.f32 v0, v32;
	v43 =	vmul.f32 v1, v1;
	v10 =	vadd.f32 v10, v18  }
0x60: {  	v50 =	vmul.f32 v0, v0;
	v8 =	vadd.f32 v8, v60;
	v62 =	vperm.xlane v9, v2  }
0x61: {  	v19 =	vadd.f32 v47, v51;
	v20 =	vadd.f32 v29, v45;
	v11 =	vmul.f32 v39, v39  }
0x62: {  	v25 =	vperm.xlane v10, v15;
	v26 =	vperm.xlane v8, v3;
	v9 =	vadd.f32 v62, v9  }
0x63: {  	v59 =	vperm.xlane v21, v15;
	v52 =	vadd.f32 v50, v46;
	v11 =	vadd.f32 v61, v11  }
0x64: {  	v10 =	vadd.f32 v10, v25;
	v8 =	vadd.f32 v8, v26;
	v26 =	vperm.xlane v9, v3  }
0x65: {  	v21 =	vadd.f32 v59, v21;
	v53 =	vperm.xlane v20, v15;
	v11 =	vadd.f32 v11, v17  }
0x66: {  	v25 =	vperm.xlane v10, v16;
	v8 =	vmul.f32 $1.562500000e-02, v8;
	v9 =	vadd.f32 v26, v9  }
0x67: {  	v18 =	vadd.f32 v20, v53;
	v58 =	vperm.xlane v11, v15;
	v26 =	vadd.f32 v43, v30  }
0x68: {  	v10 =	vadd.f32 v10, v25;
	v9 =	vmul.f32 $1.562500000e-02, v9;
	v49 =	vmul.f32 v8, v8  }
0x69: {  	v25 =	vperm.xlane v21, v16;
	v11 =	vadd.f32 v58, v11;
	v17 =	vadd.f32 v52, v26  }
0x6a: {  	v62 =	vperm.xlane v18, v16;
	v26 =	vperm.xlane v19, v16;
	v9 =	vsub.f32 v9, v49  }
0x6b: {  	v21 =	vadd.f32 v25, v21;
	v34 =	vperm.xlane v11, v16;
	v60 =	vperm.xlane v17, v15  }
0x6c: {  	v43 =	vperm.xlane v10, v2;
	v19 =	vadd.f32 v19, v26;
	v9 =	vadd.f32 $9.999999740e-06, v9  }
0x6d: {  	v25 =	vperm.xlane v21, v2;
	v11 =	vadd.f32 v34, v11;
	v17 =	vadd.f32 v60, v17  }
0x6e: {  	v10 =	vadd.f32 v10, v43;
	v26 =	vperm.xlane v19, v2;
	v24 =	vshrl.u32 v9, $0x1  }
0x6f: {  	v46 =	vperm.xlane v11, v2;
	v44 =	vperm.xlane v17, v16;
	v24 =	vsub.s32 $0x5F3759DF, v24  }
0x70: {  	v9 =	vmul.f32 $-5.000000000e-01, v9;
	v19 =	vadd.f32 v19, v26;
	v61 =	vmul.f32 v24, v24  }
0x71: {  	v26 =	vperm.xlane v10, v3;
	v11 =	vadd.f32 v46, v11;
	v17 =	vadd.f32 v44, v17  }
0x72: {  	v18 =	vadd.f32 v18, v62;
	v21 =	vadd.f32 v25, v21;
	v63 =	vmul.f32 v61, v9  }
0x73: {  	v25 =	vperm.xlane v11, v3;
	v10 =	vadd.f32 v10, v26;
	v47 =	vperm.xlane v17, v2  }
0x74: {  	[tilespmem:$0x1FF60] =	vst v1;
	v45 =	vperm.xlane v18, v2;
	v48 =	vperm.xlane v19, v3;
	v20 =	vadd.f32 $1.500000000e+00, v63  }
0x75: {  	s31 =	sadd.s32 $0x200, s22;
	[tilespmem:$0x1FF70] =	vst v0;
	v17 =	vadd.f32 v47, v17;
	v47 =	vmul.f32 $1.562500000e-02, v10;
	v10 =	vadd.f32 v25, v11  }
0x76: {  	v30 =	vld.idx.msk [tilespmem:v12+s31+$0x190 ss:$0x1], $0xffff;
	v49 =	vperm.xlane v21, v3;
	v20 =	vmul.f32 v24, v20  }
0x77: {  	v19 =	vadd.f32 v19, v48;
	v10 =	vmul.f32 $1.562500000e-02, v10;
	v52 =	vmul.f32 v47, v47  }
0x78: {  	v18 =	vadd.f32 v18, v45;
	v50 =	vperm.xlane v17, v3;
	v24 =	vmul.f32 v20, v20  }
0x79: {  	v0 =	vld [tilespmem:$0x1FF80];
	v51 =	vadd.f32 v49, v21;
	v13 =	vmul.f32 $1.562500000e-02, v19;
	v10 =	vsub.f32 v10, v52  }
0x7a: {  	v17 =	vadd.f32 v50, v17;
	v50 =	vld.idx.msk [tilespmem:v12+s31+$0x1A0 ss:$0x1], $0xffff;
	v9 =	vmul.f32 v24, v9;
	v24 =	vperm.xlane v18, v3  }
0x7b: {  	v1 =	vld [tilespmem:$0x1FFA0];
	v53 =	vmul.f32 v13, v13;
	v52 =	vmul.f32 $8.000000000e+00, v30;
	v10 =	vadd.f32 $9.999999740e-06, v10  }
0x7c: {  	v44 =	vld [tilespmem:$0x1FF90];
	v17 =	vmul.f32 $1.562500000e-02, v17;
	v9 =	vadd.f32 $1.500000000e+00, v9;
	v11 =	vadd.f32 v18, v24  }
0x7d: {  	v46 =	vld [tilespmem:$0x1FFB0];
	v18 =	vmul.f32 $1.562500000e-02, v51;
	v49 =	vshrl.u32 v10, $0x1;
	v10 =	vmul.f32 $-5.000000000e-01, v10  }
0x7e: {  	v23 =	vsub.s32 $0x5F3759DF, v49;
	v9 =	vmul.f32 v9, v20;
	v34 =	vmul.f32 $1.562500000e-02, v11  }
0x7f: {  	v18 =	vsub.f32 v18, v53;
	v25 =	vmul.f32 v23, v23;
	v53 =	vmul.f32 $8.000000000e+00, v50  }
0x80: {  	v11 =	vmul.f32 v9, v0;
	v58 =	vmul.f32 v34, v34  }
0x81: {  	v59 =	vmul.f32 v9, v44;
	v43 =	vmul.f32 v9, v1;
	v18 =	vadd.f32 $9.999999740e-06, v18  }
0x82: {  	v31 =	vld [tilespmem:$0x1FFC0];
	v9 =	vmul.f32 v9, v46;
	v25 =	vmul.f32 v25, v10;
	v30 =	vadd.f32 v53, v56  }
0x83: {  	v63 =	vmul.f32 v11, v8;
	v17 =	vsub.f32 v17, v58;
	v48 =	vmul.f32 v59, v8  }
0x84: {  	v24 =	vshrl.u32 v18, $0x1;
	v18 =	vmul.f32 $-5.000000000e-01, v18;
	v7 =	vmul.f32 v11, v7  }
0x85: {  	v62 =	vld [tilespmem:$0x1FFE0];
	v25 =	vadd.f32 $1.500000000e+00, v25;
	v29 =	vmul.f32 v43, v8;
	v24 =	vsub.s32 $0x5F3759DF, v24  }
0x86: {  	v14 =	vld [tilespmem:$0x1FFF0];
	v6 =	vmul.f32 v59, v6;
	v17 =	vadd.f32 $9.999999740e-06, v17;
	v27 =	vmul.f32 v24, v24  }
0x87: {  	v61 =	vld.idx.msk [tilespmem:v12+s31+$0x80 ss:$0x1], $0xffff;
	v8 =	vmul.f32 v9, v8;
	v20 =	vsub.f32 v31, v63;
	v21 =	vmul.f32 v23, v25  }
0x88: {  	v22 =	vmul.f32 v43, v5;
	v63 =	vld [tilespmem:$0x1FFD0];
	v26 =	vshrl.u32 v17, $0x1;
	v11 =	vmul.f32 v27, v18  }
0x89: {  	v27 =	vld.idx.msk [tilespmem:v12+s31+$0x180 ss:$0x1], $0xffff;
	v5 =	vadd.f32 v20, v7;
	v7 =	vmul.f32 v21, v21;
	v26 =	vsub.s32 $0x5F3759DF, v26  }
0x8a: {  	v53 =	vld.idx.msk [tilespmem:v12+s31+$0xA0 ss:$0x1], $0xffff;
	v51 =	vsub.f32 v62, v29;
	v17 =	vmul.f32 $-5.000000000e-01, v17;
	v28 =	vmul.f32 v26, v26  }
0x8b: {  	v8 =	vsub.f32 v14, v8;
	v11 =	vadd.f32 $1.500000000e+00, v11;
	v10 =	vmul.f32 v7, v10  }
0x8c: {  	v7 =	vadd.f32 v51, v22;
	v22 =	vmul.f32 $8.000000000e+00, v61;
	v28 =	vmul.f32 v28, v17  }
0x8d: {  	v51 =	vld.idx.msk [tilespmem:v12+s31+$0x130 ss:$0x1], $0xffff;
	v19 =	vsub.f32 v63, v48;
	v11 =	vmul.f32 v24, v11;
	v24 =	vmul.f32 v9, v4  }
0x8e: {  	v10 =	vadd.f32 $1.500000000e+00, v10;
	v9 =	vmul.f32 $8.000000000e+00, v27;
	v25 =	vadd.f32 $1.500000000e+00, v28;
	v28 =	vld.idx.msk [tilespmem:v12+s31+$0x1B0 ss:$0x1], $0xffff  }
0x8f: {  	v61 =	vmul.f32 $8.000000000e+00, v53;
	v6 =	vadd.f32 v19, v6;
	v19 =	vld.idx.msk [tilespmem:v12+s31+$0x30 ss:$0x1], $0xffff;
	v4 =	vmul.f32 v11, v11  }
0x90: {  	v48 =	vmul.f32 v30, v30;
	v49 =	vmul.f32 v10, v21;
	v43 =	vadd.f32 v9, v54  }
0x91: {  	v29 =	vadd.f32 v52, v55;
	v25 =	vmul.f32 v26, v25;
	v26 =	vld.idx.msk [tilespmem:v12+s31+$0x10 ss:$0x1], $0xffff;
	v4 =	vmul.f32 v4, v18  }
0x92: {  	v45 =	vld.idx.msk [tilespmem:v12+s31+$0x90 ss:$0x1], $0xffff;
	v8 =	vadd.f32 v8, v24;
	v51 =	vmul.f32 $8.000000000e+00, v51;
	v27 =	vmul.f32 v43, v43  }
0x93: {  	v18 =	vld.idx.msk [tilespmem:v12+s31+$0x20 ss:$0x1], $0xffff;
	v59 =	vmul.f32 v25, v25;
	v4 =	vadd.f32 $1.500000000e+00, v4;
	v58 =	vmul.f32 $8.000000000e+00, v28  }
0x94: {  	v60 =	vadd.f32 v29, v43;
	v19 =	vmul.f32 $8.000000000e+00, v19;
	v28 =	vmul.f32 v29, v29  }
0x95: {  	v17 =	vmul.f32 v59, v17;
	v4 =	vmul.f32 v4, v11;
	v11 =	vld.idx.msk [tilespmem:v12+s31+$0xB0 ss:$0x1], $0xffff;
	v9 =	vadd.f32 v58, v57  }
0x96: {  	v19 =	vadd.f32 v19, v57;
	v58 =	vadd.f32 v28, v27;
	v24 =	vmul.f32 $8.000000000e+00, v26;
	v26 =	vld.idx.msk [tilespmem:v12+s31+$0x100 ss:$0x1], $0xffff  }
0x97: {  	v27 =	vld.idx.msk [tilespmem:v12+s31+$0x0 ss:$0x1], $0xffff;
	v10 =	vadd.f32 $1.500000000e+00, v17;
	v52 =	vadd.f32 v9, v30;
	v50 =	vmul.f32 v9, v9  }
0x98: {  	v18 =	vmul.f32 $8.000000000e+00, v18;
	v28 =	vmul.f32 $8.000000000e+00, v45;
	v17 =	vadd.f32 v24, v55  }
0x99: {  	v20 =	vadd.f32 v52, v60;
	v59 =	vadd.f32 v50, v48;
	v48 =	vmul.f32 v10, v25;
	v10 =	vld.idx.msk [tilespmem:v12+s31+$0x110 ss:$0x1], $0xffff  }
0x9a: {  	v18 =	vadd.f32 v18, v56;
	v50 =	vmul.f32 v49, v0;
	v11 =	vmul.f32 $8.000000000e+00, v11  }
0x9b: {  	v24 =	vld.idx.msk [tilespmem:v12+s31+$0x120 ss:$0x1], $0xffff;
	v26 =	vmul.f32 $8.000000000e+00, v26;
	v23 =	vadd.f32 v59, v58;
	v25 =	vperm.xlane v20, v15  }
0x9c: {  	v21 =	vadd.f32 v28, v55;
	v45 =	vmul.f32 v17, v17;
	v27 =	vmul.f32 $8.000000000e+00, v27  }
0x9d: {  	v28 =	vadd.f32 v26, v54;
	v25 =	vadd.f32 v20, v25;
	v60 =	vperm.xlane v23, v15  }
0x9e: {  	v26 =	vadd.f32 v27, v54;
	v20 =	vadd.f32 v22, v54;
	v10 =	vmul.f32 $8.000000000e+00, v10  }
0x9f: {  	v22 =	vadd.f32 v61, v56;
	v58 =	vperm.xlane v25, v16;
	v23 =	vadd.f32 v60, v23  }
0xa0: {  	[tilespmem:$0x1FE90] =	vst v55;
	v53 =	vmul.f32 $8.000000000e+00, v24;
	v24 =	vadd.f32 v10, v55;
	v10 =	vadd.f32 v17, v26  }
0xa1: {  	[tilespmem:$0x1FEB0] =	vst v17;
	v17 =	vadd.f32 v51, v57;
	v25 =	vadd.f32 v25, v58;
	v52 =	vperm.xlane v23, v16  }
0xa2: {  	[tilespmem:$0x1FEE0] =	vst v18;
	v51 =	vadd.f32 v19, v18;
	v55 =	vmul.f32 v18, v18;
	v18 =	vmul.f32 v19, v19  }
0xa3: {  	[tilespmem:$0x1FEF0] =	vst v19;
	v19 =	vadd.f32 v21, v20;
	v59 =	vperm.xlane v25, v2;
	v52 =	vadd.f32 v52, v23  }
0xa4: {  	v42 =	vmul.f32 v50, v42;
	v10 =	vadd.f32 v51, v10;
	v23 =	vadd.f32 v11, v57  }
0xa5: {  	v55 =	vadd.f32 v18, v55;
	v11 =	vadd.f32 v25, v59;
	v27 =	vperm.xlane v52, v2  }
0xa6: {  	[tilespmem:$0x1FE80] =	vst v54;
	v54 =	vmul.f32 v26, v26;
	v25 =	vadd.f32 v53, v56;
	v58 =	vadd.f32 v23, v22  }
0xa7: {  	[tilespmem:$0x1FEA0] =	vst v56;
	v59 =	vmul.f32 v20, v20;
	v60 =	vperm.xlane v11, v3;
	v52 =	vadd.f32 v27, v52  }
0xa8: {  	[tilespmem:$0x1FF20] =	vst v22;
	v53 =	vmul.f32 v21, v21;
	v22 =	vmul.f32 v22, v22;
	v56 =	vadd.f32 v58, v19  }
0xa9: {  	v18 =	vadd.f32 v17, v25;
	v11 =	vadd.f32 v11, v60;
	v61 =	vperm.xlane v52, v3  }
0xaa: {  	v19 =	vmul.f32 v28, v28;
	v53 =	vadd.f32 v53, v59;
	v60 =	vadd.f32 v24, v28  }
0xab: {  	v59 =	vmul.f32 v49, v44;
	v11 =	vmul.f32 $1.562500000e-02, v11;
	v52 =	vadd.f32 v61, v52  }
0xac: {  	[tilespmem:$0x1FF10] =	vst v21;
	v61 =	vmul.f32 v23, v23;
	v58 =	vadd.f32 v18, v60;
	v18 =	vperm.xlane v56, v15  }
0xad: {  	[tilespmem:$0x1FF00] =	vst v20;
	v45 =	vadd.f32 v45, v54;
	v20 =	vmul.f32 $1.562500000e-02, v52;
	v21 =	vmul.f32 v11, v11  }
0xae: {  	[tilespmem:$0x1FF30] =	vst v23;
	v41 =	vmul.f32 v59, v41;
	v23 =	vperm.xlane v10, v15;
	v54 =	vadd.f32 v61, v22  }
0xaf: {  	v22 =	vmul.f32 v17, v17;
	v56 =	vadd.f32 v56, v18;
	v51 =	vsub.f32 v20, v21  }
0xb0: {  	v45 =	vadd.f32 v55, v45;
	v20 =	vmul.f32 v24, v24;
	v21 =	vmul.f32 v25, v25  }
0xb1: {  	v53 =	vadd.f32 v54, v53;
	v18 =	vperm.xlane v56, v16;
	v51 =	vadd.f32 $9.999999740e-06, v51  }
0xb2: {  	[tilespmem:$0x1FED0] =	vst v57;
	v52 =	vadd.f32 v20, v19;
	v57 =	vadd.f32 v22, v21;
	v20 =	vperm.xlane v58, v15  }
0xb3: {  	v10 =	vadd.f32 v10, v23;
	v21 =	vperm.xlane v45, v15;
	v22 =	vperm.xlane v53, v15  }
0xb4: {  	[tilespmem:$0x1FF50] =	vst v17;
	v56 =	vadd.f32 v56, v18;
	v17 =	vshrl.u32 v51, $0x1;
	v52 =	vadd.f32 v57, v52  }
0xb5: {  	v51 =	vmul.f32 $-5.000000000e-01, v51;
	v45 =	vadd.f32 v21, v45;
	v53 =	vadd.f32 v22, v53  }
0xb6: {  	v18 =	vperm.xlane v56, v2;
	v55 =	vsub.s32 $0x5F3759DF, v17;
	v17 =	vperm.xlane v10, v16  }
0xb7: {  	v19 =	vmul.f32 v55, v55;
	v23 =	vperm.xlane v52, v15  }
0xb8: {  	v58 =	vadd.f32 v58, v20;
	v20 =	vperm.xlane v45, v16;
	v21 =	vperm.xlane v53, v16  }
0xb9: {  	v56 =	vadd.f32 v56, v18;
	v10 =	vadd.f32 v10, v17;
	v54 =	vmul.f32 v19, v51  }
0xba: {  	v52 =	vadd.f32 v23, v52;
	v19 =	vperm.xlane v58, v16;
	v45 =	vadd.f32 v20, v45  }
0xbb: {  	v53 =	vadd.f32 v21, v53;
	v22 =	vperm.xlane v10, v2;
	v54 =	vadd.f32 $1.500000000e+00, v54  }
0xbc: {  	v58 =	vadd.f32 v58, v19;
	v17 =	vperm.xlane v52, v16;
	v20 =	vperm.xlane v45, v2  }
0xbd: {  	v21 =	vperm.xlane v53, v2;
	v10 =	vadd.f32 v10, v22;
	v54 =	vmul.f32 v55, v54  }
0xbe: {  	v19 =	vperm.xlane v58, v2;
	v52 =	vadd.f32 v17, v52;
	v45 =	vadd.f32 v20, v45  }
0xbf: {  	v17 =	vperm.xlane v56, v3;
	v53 =	vadd.f32 v21, v53;
	v23 =	vmul.f32 v54, v54  }
0xc0: {  	v58 =	vadd.f32 v58, v19;
	v22 =	vperm.xlane v52, v2;
	v19 =	vperm.xlane v45, v3  }
0xc1: {  	v21 =	vperm.xlane v53, v3;
	v51 =	vmul.f32 v23, v51  }
0xc2: {  	v23 =	vperm.xlane v10, v3;
	v52 =	vadd.f32 v22, v52;
	v57 =	vadd.f32 v19, v45  }
0xc3: {  	v18 =	vperm.xlane v58, v3;
	v53 =	vadd.f32 v21, v53;
	v51 =	vadd.f32 $1.500000000e+00, v51  }
0xc4: {  	v10 =	vadd.f32 v10, v23;
	v22 =	vperm.xlane v52, v3;
	v21 =	vmul.f32 $1.562500000e-02, v57  }
0xc5: {  	v53 =	vmul.f32 $1.562500000e-02, v53;
	v51 =	vmul.f32 v51, v54  }
0xc6: {  	v57 =	vmul.f32 v48, v44;
	v54 =	vadd.f32 v56, v17;
	v45 =	vmul.f32 $1.562500000e-02, v10  }
0xc7: {  	v52 =	vadd.f32 v22, v52;
	v20 =	vmul.f32 v51, v0;
	v17 =	vmul.f32 v51, v44  }
0xc8: {  	v55 =	vadd.f32 v58, v18;
	v18 =	vmul.f32 v51, v1;
	v51 =	vmul.f32 v51, v46  }
0xc9: {  	v52 =	vmul.f32 $1.562500000e-02, v52;
	v23 =	vmul.f32 v20, v11  }
0xca: {  	v43 =	vmul.f32 v20, v43;
	v19 =	vmul.f32 v17, v29  }
0xcb: {  	s2 =	smul.u32 $0xFFFE8000, s2;
	v56 =	vmul.f32 v17, v11;
	v61 =	vmul.f32 v18, v30  }
0xcc: {  	v58 =	vmul.f32 v18, v11;
	v30 =	vmul.f32 $1.562500000e-02, v55  }
0xcd: {  	s2 =	sshra.s32 s2, $0x2;
	v11 =	vmul.f32 v51, v11;
	v9 =	vmul.f32 v51, v9;
	v10 =	vsub.f32 v31, v23  }
0xce: {  	v29 =	vmov s2;
	v17 =	vmul.f32 v49, v1;
	v23 =	vmul.f32 v45, v45  }
0xcf: {  	v22 =	vsub.f32 v62, v58;
	v10 =	vadd.f32 v10, v43;
	v43 =	vmul.f32 $1.562500000e-02, v54  }
0xd0: {  	v49 =	vmul.f32 v49, v46;
	v20 =	vsub.f32 v63, v56;
	v51 =	vsub.f32 v21, v23  }
0xd1: {  	v56 =	vadd.f32 v22, v61;
	v61 =	vmul.f32 v30, v30;
	v60 =	vmul.f32 v43, v43  }
0xd2: {  	[tilespmem:$0x1FEC0] =	vst v26;
	v18 =	vmul.f32 v50, v47;
	v11 =	vsub.f32 v14, v11;
	v51 =	vadd.f32 $9.999999740e-06, v51  }
0xd3: {  	[tilespmem:$0x1FF40] =	vst v25;
	v55 =	vmul.f32 v59, v47;
	v52 =	vsub.f32 v52, v61;
	v53 =	vsub.f32 v53, v60  }
0xd4: {  	v40 =	vmul.f32 v49, v40;
	v54 =	vadd.f32 v20, v19;
	[tilespmem:v29+s23+$0xC0 ss:$0x1] =	vst.idx.msk $0xffff, v5  }
0xd5: {  	s28 =	sadd.s32 $0x100, s23;
	[tilespmem:v29+s23+$0xD0 ss:$0x1] =	vst.idx.msk $0xffff, v6;
	v19 =	vshrl.u32 v51, $0x1;
	v5 =	vadd.f32 $9.999999740e-06, v52;
	v53 =	vadd.f32 $9.999999740e-06, v53  }
0xd6: {  	[tilespmem:v29+s28+$0xC0 ss:$0x1] =	vst.idx.msk $0xffff, v10;
	v10 =	vmul.f32 v17, v39;
	v6 =	vmul.f32 $-5.000000000e-01, v51;
	v50 =	vsub.s32 $0x5F3759DF, v19  }
0xd7: {  	v21 =	vmul.f32 v50, v50;
	v22 =	vshrl.u32 v5, $0x1;
	v20 =	vshrl.u32 v53, $0x1  }
0xd8: {  	[tilespmem:v29+s23+$0xE0 ss:$0x1] =	vst.idx.msk $0xffff, v7;
	v7 =	vmul.f32 $-5.000000000e-01, v53;
	v53 =	vmul.f32 $-5.000000000e-01, v5;
	v52 =	vsub.s32 $0x5F3759DF, v20  }
0xd9: {  	[tilespmem:v29+s23+$0xF0 ss:$0x1] =	vst.idx.msk $0xffff, v8;
	v8 =	vsub.s32 $0x5F3759DF, v22;
	v5 =	vmul.f32 v21, v6;
	v23 =	vmul.f32 v52, v52  }
0xda: {  	v9 =	vadd.f32 v11, v9;
	v60 =	vmul.f32 v17, v47;
	v11 =	vmul.f32 v8, v8  }
0xdb: {  	[tilespmem:v29+s28+$0xD0 ss:$0x1] =	vst.idx.msk $0xffff, v54;
	v47 =	vmul.f32 v49, v47;
	v5 =	vadd.f32 $1.500000000e+00, v5;
	v59 =	vmul.f32 v23, v7  }
0xdc: {  	[tilespmem:v29+s28+$0xE0 ss:$0x1] =	vst.idx.msk $0xffff, v56;
	v56 =	vmul.f32 v48, v0;
	v11 =	vmul.f32 v11, v53  }
0xdd: {  	v61 =	vmul.f32 v50, v5;
	v5 =	vsub.f32 v31, v18;
	v51 =	vadd.f32 $1.500000000e+00, v59  }
0xde: {  	v19 =	vsub.f32 v63, v55;
	v33 =	vmul.f32 v56, v33;
	v11 =	vadd.f32 $1.500000000e+00, v11  }
0xdf: {  	v42 =	vadd.f32 v5, v42;
	v5 =	vmul.f32 v61, v61;
	v17 =	vmul.f32 v52, v51  }
0xe0: {  	v18 =	vmul.f32 v4, v0;
	v20 =	vmul.f32 v8, v11;
	v11 =	vsub.f32 v62, v60  }
0xe1: {  	v21 =	vadd.f32 v19, v41;
	v22 =	vmul.f32 v5, v6;
	v5 =	vmul.f32 v17, v17  }
0xe2: {  	v8 =	vmul.f32 v4, v44;
	v10 =	vadd.f32 v11, v10;
	v6 =	vmul.f32 v18, v13  }
0xe3: {  	v11 =	vmul.f32 v18, v38;
	v23 =	vmul.f32 v5, v7;
	v7 =	vsub.f32 v14, v47  }
0xe4: {  	v36 =	vmul.f32 v8, v36;
	v52 =	vsub.f32 v31, v6;
	v5 =	vmul.f32 v4, v1  }
0xe5: {  	v4 =	vmul.f32 v4, v46;
	v6 =	vadd.f32 v7, v40;
	v7 =	vmul.f32 v8, v13  }
0xe6: {  	v8 =	vmul.f32 v5, v37;
	v55 =	vmul.f32 v5, v13;
	v5 =	vadd.f32 v52, v11  }
0xe7: {  	[tilespmem:v29+s28+$0xF0 ss:$0x1] =	vst.idx.msk $0xffff, v9;
	v9 =	vmul.f32 v4, v13;
	v35 =	vmul.f32 v4, v35;
	v4 =	vadd.f32 $1.500000000e+00, v22  }
0xe8: {  	v11 =	vmul.f32 v20, v20;
	v7 =	vsub.f32 v63, v7;
	v37 =	vsub.f32 v62, v55  }
0xe9: {  	[tilespmem:v29+s23+$0x0 ss:$0x1] =	vst.idx.msk $0xffff, v42;
	v13 =	vmul.f32 v48, v1;
	v58 =	vmul.f32 v4, v61  }
0xea: {  	v4 =	vadd.f32 v7, v36;
	v7 =	vadd.f32 v37, v8;
	v8 =	vld [tilespmem:$0x1FF60];
	[tilespmem:v29+s23+$0x10 ss:$0x1] =	vst.idx.msk $0xffff, v21  }
0xeb: {  	v59 =	vmul.f32 v48, v46;
	v40 =	vmul.f32 v56, v34;
	v38 =	vadd.f32 $1.500000000e+00, v23;
	[tilespmem:v29+s23+$0x20 ss:$0x1] =	vst.idx.msk $0xffff, v10  }
0xec: {  	v11 =	vmul.f32 v11, v53;
	v61 =	vmul.f32 v13, v34;
	v9 =	vsub.f32 v14, v9;
	v10 =	vld [tilespmem:$0x1FF70]  }
0xed: {  	v40 =	vsub.f32 v31, v40;
	v38 =	vmul.f32 v38, v17;
	v36 =	vmul.f32 v13, v32  }
0xee: {  	v31 =	vadd.f32 $1.500000000e+00, v11;
	v53 =	vadd.f32 v9, v35;
	v35 =	vmul.f32 v58, v44  }
0xef: {  	v11 =	vsub.f32 v62, v61;
	v60 =	vmul.f32 v57, v8;
	v8 =	vmul.f32 v57, v34  }
0xf0: {  	s4 =	sshll.u32 s26, $0xE;
	v9 =	vadd.f32 v40, v33;
	v40 =	vmul.f32 v58, v1;
	v34 =	vmul.f32 v59, v34  }
0xf1: {  	s29 =	sadd.s32 $0x4000, s4;
	s4 =	sshll.u32 s26, $0xD;
	v27 =	vmovc v24;
	v41 =	vmul.f32 v58, v46;
	v37 =	vmul.f32 v59, v10;
	v10 =	vsub.f32 v63, v8  }
0xf2: {  	s30 =	sor.u32 $0x10000, s4;
	v32 =	vmul.f32 v38, v0;
	v55 =	vmovc v15;
	v39 =	vmul.f32 v31, v20;
	v8 =	vsub.f32 v14, v34  }
0xf3: {  	s4 =	simm.s32 $0x4;
	s2 =	sadd.s32 $0x200, s31;
	s31 =	smov.u32 s23;
	v34 =	vmul.f32 v58, v0;
	v63 =	vmovc v3;
	v3 =	vmovc v2;
	v2 =	vmov v16;
	v10 =	vadd.f32 v10, v60  }
.LBB2_3:
0xf4: {  	v48 =	vld.idx.msk [tilespmem:v12+s2+$0x180 ss:$0x1], $0xffff  }
0xf5: {  	v46 =	vld [tilespmem:$0x1FF90]  }
0xf6: {  	v1 =	vld [tilespmem:$0x1FFA0]  }
0xf7: {  	v49 =	vld.idx.msk [tilespmem:v12+s2+$0x190 ss:$0x1], $0xffff  }
0xf8: {  	v31 =	vld [tilespmem:$0x1FFB0]  }
0xf9: {  	v0 =	vld [tilespmem:$0x1FF80]  }
0xfa: {  	[tilespmem:v29+s31+$0x30 ss:$0x1] =	vst.idx.msk $0xffff, v6;
	v6 =	vld.idx.msk [tilespmem:v12+s2+$0x1B0 ss:$0x1], $0xffff  }
0xfb: {  	[tilespmem:$0x1FDE0] =	vst v40;
	v50 =	vmul.f32 v40, v45;
	v40 =	vld [tilespmem:$0x1FFC0]  }
0xfc: {  	v42 =	vld [tilespmem:$0x1FFE0]  }
0xfd: {  	v20 =	vld [tilespmem:$0x1FE80]  }
0xfe: {  	v21 =	vld [tilespmem:$0x1FE90]  }
0xff: {  	v22 =	vld [tilespmem:$0x1FEA0]  }
0x100: {  	v44 =	vmul.f32 v34, v45;
	v54 =	vmul.f32 v32, v43;
	v51 =	vadd.f32 v8, v37;
	v8 =	vld.idx.msk [tilespmem:v12+s2+$0x1A0 ss:$0x1], $0xffff  }
0x101: {  	v47 =	vmul.f32 v35, v45;
	v52 =	vld.idx.msk [tilespmem:v12+s2+$0x20 ss:$0x1], $0xffff;
	v23 =	vmul.f32 v41, v45  }
0x102: {  	[tilespmem:v29+s31+$0x40 ss:$0x1] =	vst.idx.msk $0xffff, v5;
	v56 =	vld.idx.msk [tilespmem:v12+s2+$0x30 ss:$0x1], $0xffff;
	v16 =	vmul.f32 v38, v46;
	v15 =	vmul.f32 v38, v1  }
0x103: {  	v11 =	vadd.f32 v11, v36;
	[tilespmem:$0x1FDF0] =	vst v41;
	v41 =	vld [tilespmem:$0x1FFD0];
	v14 =	vmul.f32 v38, v31;
	v13 =	vmul.f32 v39, v0  }
0x104: {  	v5 =	vld.idx.msk [tilespmem:v12+s2+$0x10 ss:$0x1], $0xffff;
	[tilespmem:v29+s31+$0x50 ss:$0x1] =	vst.idx.msk $0xffff, v4;
	v37 =	vmul.f32 v39, v46;
	v36 =	vmul.f32 v39, v1  }
0x105: {  	v17 =	vmul.f32 v39, v31;
	v58 =	vmul.f32 $8.000000000e+00, v48;
	v48 =	vmov v32;
	v32 =	vld [tilespmem:$0x1FFF0];
	[tilespmem:$0x1FE40] =	vst v15  }
0x106: {  	v18 =	vld.idx.msk [tilespmem:v12+s2+$0x0 ss:$0x1], $0xffff;
	v4 =	vsub.f32 v40, v44;
	v59 =	vmul.f32 $8.000000000e+00, v49;
	v60 =	vmul.f32 $8.000000000e+00, v8;
	[tilespmem:$0x1FE60] =	vst v14  }
0x107: {  	v57 =	vld.idx.msk [tilespmem:v12+s2+$0x80 ss:$0x1], $0xffff;
	v61 =	vmul.f32 $8.000000000e+00, v6;
	v52 =	vmul.f32 $8.000000000e+00, v52;
	[tilespmem:$0x1FE70] =	vst v13  }
0x108: {  	v39 =	vmul.f32 $8.000000000e+00, v56;
	[tilespmem:$0x1FE00] =	vst v4;
	v4 =	vsub.f32 v41, v47;
	v6 =	vadd.f32 v60, v22;
	v60 =	vld.idx.msk [tilespmem:v12+s2+$0x110 ss:$0x1], $0xffff  }
0x109: {  	v44 =	vmul.f32 v15, v43;
	v15 =	vsub.f32 v42, v50;
	v56 =	vadd.f32 v52, v22;
	v52 =	vld.idx.msk [tilespmem:v12+s2+$0x130 ss:$0x1], $0xffff  }
0x10a: {  	v38 =	vmul.f32 $8.000000000e+00, v5;
	v50 =	vmul.f32 v13, v30;
	[tilespmem:$0x1FE20] =	vst v4;
	v13 =	vsub.f32 v32, v23;
	v23 =	vld [tilespmem:$0x1FED0]  }
0x10b: {  	v47 =	vmul.f32 v14, v43;
	v4 =	vmul.f32 v16, v43;
	[tilespmem:$0x1FE30] =	vst v15;
	v43 =	vld.idx.msk [tilespmem:v12+s2+$0x90 ss:$0x1], $0xffff  }
0x10c: {  	v8 =	vadd.f32 v58, v20;
	[tilespmem:v29+s31+$0x60 ss:$0x1] =	vst.idx.msk $0xffff, v7;
	v7 =	vadd.f32 v59, v21;
	v59 =	vld.idx.msk [tilespmem:v12+s2+$0x100 ss:$0x1], $0xffff  }
0x10d: {  	v49 =	vsub.f32 v40, v54;
	v18 =	vmul.f32 $8.000000000e+00, v18;
	v45 =	vld.idx.msk [tilespmem:v12+s2+$0xA0 ss:$0x1], $0xffff;
	[tilespmem:v29+s31+$0x70 ss:$0x1] =	vst.idx.msk $0xffff, v53  }
0x10e: {  	v57 =	vmul.f32 $8.000000000e+00, v57;
	v62 =	vadd.f32 v38, v21;
	v14 =	vmul.f32 v8, v8;
	v54 =	vld.idx.msk [tilespmem:v12+s2+$0xB0 ss:$0x1], $0xffff;
	[tilespmem:$0x1FE50] =	vst v13  }
0x10f: {  	v33 =	vmul.f32 v6, v6;
	v13 =	vld.idx.msk [tilespmem:v12+s2+$0x120 ss:$0x1], $0xffff;
	[tilespmem:v29+s31+$0x80 ss:$0x1] =	vst.idx.msk $0xffff, v9;
	v5 =	vadd.f32 v61, v23  }
0x110: {  	v58 =	vadd.f32 v7, v8;
	v15 =	vmul.f32 v7, v7;
	[tilespmem:v29+s31+$0x90 ss:$0x1] =	vst.idx.msk $0xffff, v10;
	v43 =	vmul.f32 $8.000000000e+00, v43  }
0x111: {  	[tilespmem:v29+s31+$0xA0 ss:$0x1] =	vst.idx.msk $0xffff, v11;
	v11 =	vmul.f32 $8.000000000e+00, v60;
	v61 =	vadd.f32 v5, v6;
	v38 =	vmul.f32 v5, v5  }
0x112: {  	v14 =	vadd.f32 v15, v14;
	v9 =	vmul.f32 $8.000000000e+00, v45;
	v45 =	vmul.f32 $8.000000000e+00, v52  }
0x113: {  	v10 =	vmul.f32 $8.000000000e+00, v54;
	v19 =	vadd.f32 v61, v58;
	v15 =	vadd.f32 v38, v33  }
0x114: {  	v60 =	vadd.f32 v43, v21;
	v54 =	vadd.f32 v11, v21;
	v13 =	vmul.f32 $8.000000000e+00, v13  }
0x115: {  	v52 =	vadd.f32 v45, v23;
	v14 =	vadd.f32 v15, v14;
	v15 =	vperm.xlane v19, v55  }
0x116: {  	v58 =	vadd.f32 v39, v23;
	v39 =	vmul.f32 $8.000000000e+00, v59;
	v61 =	vadd.f32 v57, v20  }
0x117: {  	v59 =	vadd.f32 v9, v22;
	v15 =	vadd.f32 v19, v15;
	v33 =	vperm.xlane v14, v55  }
0x118: {  	[tilespmem:v29+s31+$0xB0 ss:$0x1] =	vst.idx.msk $0xffff, v51;
	v57 =	vadd.f32 v10, v23;
	v9 =	vadd.f32 v18, v20  }
0x119: {  	v51 =	vadd.f32 v13, v22;
	v10 =	vperm.xlane v15, v2;
	v14 =	vadd.f32 v33, v14  }
0x11a: {  	[tilespmem:$0x1FE10] =	vst v16;
	v16 =	vmul.f32 v62, v62;
	v53 =	vadd.f32 v39, v20;
	v13 =	vadd.f32 v62, v9  }
0x11b: {  	[tilespmem:$0x1FDD0] =	vst v17;
	v17 =	vadd.f32 v58, v56;
	v10 =	vadd.f32 v15, v10;
	v11 =	vperm.xlane v14, v2  }
0x11c: {  	v43 =	vadd.f32 v60, v61;
	v45 =	vadd.f32 v57, v59;
	v20 =	vmul.f32 v61, v61  }
0x11d: {  	v23 =	vmul.f32 v59, v59;
	v38 =	vperm.xlane v10, v3;
	v11 =	vadd.f32 v11, v14  }
0x11e: {  	v18 =	vmul.f32 v57, v57;
	v25 =	vadd.f32 v52, v51;
	v19 =	vmul.f32 v58, v58  }
0x11f: {  	v22 =	vadd.f32 v54, v53;
	v10 =	vadd.f32 v10, v38;
	v39 =	vperm.xlane v11, v3  }
0x120: {  	v26 =	vmul.f32 v53, v53;
	v13 =	vadd.f32 v17, v13;
	v17 =	vmul.f32 v51, v51  }
0x121: {  	v33 =	vmul.f32 v60, v60;
	v24 =	vperm.xlane v10, v63;
	v11 =	vadd.f32 v39, v11  }
0x122: {  	v18 =	vadd.f32 v18, v23;
	v22 =	vadd.f32 v25, v22;
	v15 =	vmul.f32 v9, v9  }
0x123: {  	v20 =	vadd.f32 v33, v20;
	v10 =	vadd.f32 v10, v24;
	v24 =	vperm.xlane v11, v63  }
0x124: {  	v25 =	vperm.xlane v22, v55;
	v14 =	vmul.f32 v56, v56;
	v15 =	vadd.f32 v16, v15  }
0x125: {  	v38 =	vmovc v28;
	v28 =	vmul.f32 v52, v52;
	v16 =	vmul.f32 $1.562500000e-02, v10;
	v10 =	vadd.f32 v24, v11  }
0x126: {  	v18 =	vadd.f32 v18, v20;
	v22 =	vadd.f32 v22, v25;
	v39 =	vmovc v27;
	v27 =	vmul.f32 v54, v54  }
0x127: {  	v17 =	vadd.f32 v28, v17;
	v10 =	vmul.f32 $1.562500000e-02, v10;
	v33 =	vmul.f32 v16, v16  }
0x128: {  	v11 =	vadd.f32 v19, v14;
	v14 =	vperm.xlane v13, v55;
	v19 =	vadd.f32 v45, v43  }
0x129: {  	v24 =	vadd.f32 v27, v26;
	v21 =	vsub.f32 v10, v33  }
0x12a: {  	v43 =	vperm.xlane v19, v55;
	v15 =	vadd.f32 v11, v15;
	v13 =	vadd.f32 v13, v14  }
0x12b: {  	v17 =	vadd.f32 v17, v24;
	v45 =	vadd.f32 $9.999999740e-06, v21  }
0x12c: {  	v14 =	vperm.xlane v15, v55;
	v19 =	vadd.f32 v19, v43;
	v33 =	vperm.xlane v18, v55  }
0x12d: {  	v24 =	vperm.xlane v17, v55;
	v25 =	vperm.xlane v13, v2;
	v43 =	vshrl.u32 v45, $0x1  }
0x12e: {  	v14 =	vadd.f32 v14, v15;
	v26 =	vperm.xlane v19, v2;
	v23 =	vsub.s32 $0x5F3759DF, v43  }
0x12f: {  	v18 =	vadd.f32 v33, v18;
	v15 =	vmul.f32 $-5.000000000e-01, v45;
	v45 =	vmul.f32 v23, v23  }
0x130: {  	v33 =	vperm.xlane v22, v2;
	v17 =	vadd.f32 v24, v17;
	v13 =	vadd.f32 v13, v25  }
0x131: {  	v24 =	vperm.xlane v14, v2;
	v19 =	vadd.f32 v19, v26;
	v20 =	vmul.f32 v45, v15  }
0x132: {  	v25 =	vperm.xlane v18, v2;
	v21 =	vadd.f32 v22, v33;
	v43 =	vperm.xlane v13, v3  }
0x133: {  	v14 =	vadd.f32 v24, v14;
	v24 =	vperm.xlane v17, v2;
	v20 =	vadd.f32 $1.500000000e+00, v20  }
0x134: {  	v26 =	vperm.xlane v19, v3;
	v18 =	vadd.f32 v25, v18;
	v13 =	vadd.f32 v13, v43  }
0x135: {  	v45 =	vperm.xlane v21, v3;
	v17 =	vadd.f32 v24, v17;
	v20 =	vmul.f32 v23, v20  }
0x136: {  	v33 =	vperm.xlane v14, v3;
	v19 =	vadd.f32 v19, v26;
	v25 =	vperm.xlane v18, v3  }
0x137: {  	v26 =	vperm.xlane v13, v63;
	v21 =	vadd.f32 v21, v45;
	v24 =	vmul.f32 v20, v20  }
0x138: {  	v43 =	vperm.xlane v17, v3;
	v14 =	vadd.f32 v33, v14;
	v18 =	vadd.f32 v25, v18  }
0x139: {  	v45 =	vperm.xlane v19, v63;
	v13 =	vadd.f32 v13, v26;
	v15 =	vmul.f32 v24, v15  }
0x13a: {  	v25 =	vperm.xlane v14, v63;
	v17 =	vadd.f32 v43, v17;
	v22 =	vperm.xlane v18, v63  }
0x13b: {  	v19 =	vadd.f32 v19, v45;
	v24 =	vperm.xlane v21, v63;
	v15 =	vadd.f32 $1.500000000e+00, v15  }
0x13c: {  	v45 =	vmul.f32 $1.562500000e-02, v13;
	v13 =	vadd.f32 v25, v14;
	v14 =	vadd.f32 v22, v18  }
0x13d: {  	v33 =	vperm.xlane v17, v63;
	v21 =	vadd.f32 v21, v24;
	v15 =	vmul.f32 v15, v20  }
0x13e: {  	v43 =	vmul.f32 $1.562500000e-02, v19;
	v14 =	vmul.f32 $1.562500000e-02, v14  }
0x13f: {  	v18 =	vmul.f32 $1.562500000e-02, v21;
	v19 =	vmul.f32 v15, v0  }
0x140: {  	v20 =	vmul.f32 v15, v46;
	v22 =	vmul.f32 v15, v1  }
0x141: {  	v15 =	vmul.f32 v15, v31;
	v21 =	vmul.f32 v19, v16  }
0x142: {  	v17 =	vadd.f32 v33, v17;
	v33 =	vmul.f32 v20, v16;
	v8 =	vmul.f32 v19, v8  }
0x143: {  	v24 =	vsub.f32 v42, v44;
	v44 =	vmul.f32 v22, v16;
	v7 =	vmul.f32 v20, v7  }
0x144: {  	v16 =	vmul.f32 v15, v16;
	v6 =	vmul.f32 v22, v6;
	v21 =	vsub.f32 v40, v21  }
0x145: {  	v5 =	vmul.f32 v15, v5;
	v23 =	vsub.f32 v41, v33;
	v19 =	vsub.f32 v42, v44  }
0x146: {  	v15 =	vmul.f32 v45, v45;
	v16 =	vsub.f32 v32, v16;
	v8 =	vadd.f32 v21, v8  }
0x147: {  	s31 =	smov.u32 s28;
	s28 =	sadd.s32 $0x100, s28;
	v13 =	vmul.f32 $1.562500000e-02, v13;
	v44 =	vld [tilespmem:$0x1FDD0];
	v7 =	vadd.f32 v23, v7;
	v6 =	vadd.f32 v19, v6  }
0x148: {  	v5 =	vadd.f32 v16, v5;
	[tilespmem:v29+s28+$0xC0 ss:$0x1] =	vst.idx.msk $0xffff, v8;
	v8 =	vmul.f32 v43, v43  }
0x149: {  	[tilespmem:v29+s28+$0xD0 ss:$0x1] =	vst.idx.msk $0xffff, v7;
	v7 =	vsub.f32 v13, v15;
	v13 =	vmul.f32 v18, v18  }
0x14a: {  	v17 =	vmul.f32 $1.562500000e-02, v17;
	v15 =	vmovc v62;
	[tilespmem:v29+s28+$0xE0 ss:$0x1] =	vst.idx.msk $0xffff, v6;
	v6 =	vsub.f32 v14, v8;
	v14 =	vmov v9;
	v9 =	vld [tilespmem:$0x1FEB0]  }
0x14b: {  	v11 =	vmul.f32 v36, v30;
	v10 =	vmul.f32 v37, v30;
	[tilespmem:$0x1FEB0] =	vst v15;
	v7 =	vadd.f32 $9.999999740e-06, v7  }
0x14c: {  	[tilespmem:v29+s28+$0xF0 ss:$0x1] =	vst.idx.msk $0xffff, v5;
	v5 =	vmul.f32 v44, v30;
	v8 =	vsub.f32 v17, v13;
	v13 =	vld [tilespmem:$0x1FEC0];
	v6 =	vadd.f32 $9.999999740e-06, v6  }
0x14d: {  	[tilespmem:$0x1FEC0] =	vst v14;
	v14 =	vsub.f32 v32, v47;
	v15 =	vshrl.u32 v7, $0x1;
	v7 =	vmul.f32 $-5.000000000e-01, v7  }
0x14e: {  	v8 =	vadd.f32 $9.999999740e-06, v8;
	v15 =	vsub.s32 $0x5F3759DF, v15;
	v62 =	vmul.f32 $-5.000000000e-01, v6  }
0x14f: {  	v47 =	vshrl.u32 v6, $0x1;
	v9 =	vmul.f32 v35, v9;
	v6 =	vmul.f32 v15, v15  }
0x150: {  	v16 =	vsub.s32 $0x5F3759DF, v47;
	v33 =	vshrl.u32 v8, $0x1;
	v35 =	vmul.f32 $-5.000000000e-01, v8  }
0x151: {  	v30 =	vmovc v18;
	v13 =	vmul.f32 v34, v13;
	v34 =	vmul.f32 v16, v16;
	v18 =	vsub.s32 $0x5F3759DF, v33  }
0x152: {  	v6 =	vmul.f32 v6, v7;
	v8 =	vmul.f32 v18, v18  }
0x153: {  	v4 =	vsub.f32 v41, v4;
	v10 =	vsub.f32 v41, v10;
	v25 =	vld [tilespmem:$0x1FDF0];
	v19 =	vmul.f32 v34, v62  }
0x154: {  	v21 =	vsub.f32 v40, v50;
	v50 =	vld [tilespmem:$0x1FEF0];
	v6 =	vadd.f32 $1.500000000e+00, v6;
	v41 =	vmul.f32 v8, v35  }
0x155: {  	v8 =	vsub.f32 v32, v5;
	v5 =	vadd.f32 $1.500000000e+00, v19  }
0x156: {  	v26 =	vmov v58;
	v58 =	vld [tilespmem:$0x1FF00];
	v15 =	vmul.f32 v15, v6;
	v6 =	vadd.f32 $1.500000000e+00, v41  }
0x157: {  	v16 =	vmul.f32 v16, v5;
	v5 =	vld [tilespmem:$0x1FE00]  }
0x158: {  	v18 =	vmul.f32 v18, v6;
	v6 =	vld [tilespmem:$0x1FE20]  }
0x159: {  	v11 =	vsub.f32 v42, v11;
	v42 =	vld [tilespmem:$0x1FEE0];
	v23 =	vmul.f32 v25, v50;
	v25 =	vmov v61  }
0x15a: {  	[tilespmem:$0x1FF00] =	vst v25;
	v25 =	vld [tilespmem:$0x1FE10]  }
0x15b: {  	v47 =	vld [tilespmem:$0x1FDE0]  }
0x15c: {  	v13 =	vadd.f32 v5, v13;
	v5 =	vld [tilespmem:$0x1FF10]  }
0x15d: {  	v9 =	vadd.f32 v6, v9;
	v6 =	vld [tilespmem:$0x1FE30]  }
0x15e: {  	v27 =	vmov v56  }
0x15f: {  	[tilespmem:$0x1FEE0] =	vst v27  }
0x160: {  	v27 =	vld [tilespmem:$0x1FE40];
	[tilespmem:$0x1FEF0] =	vst v26;
	v19 =	vmul.f32 v47, v42  }
0x161: {  	v26 =	vmul.f32 v16, v16;
	[tilespmem:v29+s31+$0x0 ss:$0x1] =	vst.idx.msk $0xffff, v13;
	v13 =	vld [tilespmem:$0x1FE70]  }
0x162: {  	[tilespmem:v29+s31+$0x10 ss:$0x1] =	vst.idx.msk $0xffff, v9;
	v25 =	vmul.f32 v25, v5;
	v5 =	vmov v60;
	v19 =	vadd.f32 v6, v19;
	v6 =	vld [tilespmem:$0x1FF20]  }
0x163: {  	v9 =	vld [tilespmem:$0x1FF40];
	[tilespmem:$0x1FF10] =	vst v5;
	v5 =	vmul.f32 v15, v15  }
0x164: {  	v28 =	vmul.f32 v18, v18;
	v17 =	vmul.f32 v26, v62  }
0x165: {  	v60 =	vld [tilespmem:$0x1FE60];
	v7 =	vmul.f32 v5, v7  }
0x166: {  	v62 =	vmul.f32 v37, v39;
	v20 =	vmul.f32 v28, v35;
	v17 =	vadd.f32 $1.500000000e+00, v17;
	v5 =	vld [tilespmem:$0x1FE50]  }
0x167: {  	v61 =	vmovc v57;
	v13 =	vmul.f32 v13, v38;
	v7 =	vadd.f32 $1.500000000e+00, v7;
	v27 =	vmul.f32 v27, v6;
	v6 =	vmovc v59;
	v59 =	vld [tilespmem:$0x1FF30]  }
0x168: {  	s4 =	sadd.s32 $0x4, s4;
	v38 =	vmul.f32 v17, v16;
	v36 =	vmul.f32 v36, v9;
	v9 =	vadd.f32 $1.500000000e+00, v20;
	[tilespmem:v29+s31+$0x20 ss:$0x1] =	vst.idx.msk $0xffff, v19  }
0x169: {  	p0 =	slt.u32 s4, $0x7C;
	v22 =	vmul.f32 v48, v58;
	v10 =	vadd.f32 v10, v62;
	[tilespmem:$0x1FF30] =	vst v61;
	v15 =	vmul.f32 v7, v15;
	v7 =	vld [tilespmem:$0x1FF50]  }
.Ltmp0:
0x16a: {  	v4 =	vadd.f32 v4, v25;
	v32 =	vmul.f32 v38, v0;
	v39 =	vmul.f32 v9, v18;
	[tilespmem:$0x1FF20] =	vst v6;
	(pc) =	sbr.rel @p0 .LBB2_3-.Ltmp0, $4  }
0x16b: {  	v6 =	vadd.f32 v5, v23;
	v5 =	vadd.f32 v49, v22;
	v40 =	vmul.f32 v15, v1;
	v1 =	vmovc v51  }
0x16c: {  	v28 =	vmovc v53;
	v34 =	vmul.f32 v15, v0;
	v0 =	vmov v52;
	[tilespmem:$0x1FF40] =	vst v1;
	v22 =	vmul.f32 v60, v59  }
0x16d: {  	v9 =	vadd.f32 v21, v13;
	v35 =	vmul.f32 v15, v46;
	v41 =	vmul.f32 v15, v31;
	[tilespmem:$0x1FF50] =	vst v0  }
0x16e: {  	s2 =	sadd.s32 $0x200, s2;
	v37 =	vmul.f32 v44, v7;
	v7 =	vadd.f32 v24, v27;
	v27 =	vmovc v54;
	v53 =	vadd.f32 v14, v22  }
0x16f: {  	_ = 	snop  }
0x170: {  	v16 =	vld [tilespmem:$0x1FF90]  }
0x171: {  	v0 =	vld [tilespmem:$0x1FF80]  }
0x172: {  	v1 =	vld [tilespmem:$0x1FFA0]  }
0x173: {  	v18 =	vld [tilespmem:$0x1FFB0];
	[tilespmem:v29+s31+$0x30 ss:$0x1] =	vst.idx.msk $0xffff, v6  }
0x174: {  	[tilespmem:v29+s31+$0x40 ss:$0x1] =	vst.idx.msk $0xffff, v5  }
0x175: {  	[tilespmem:v29+s31+$0x50 ss:$0x1] =	vst.idx.msk $0xffff, v4  }
0x176: {  	v15 =	vmul.f32 v39, v0;
	v0 =	vld [tilespmem:$0x1FFC0];
	[tilespmem:v29+s31+$0x60 ss:$0x1] =	vst.idx.msk $0xffff, v7  }
0x177: {  	v13 =	vmul.f32 v38, v1;
	v17 =	vmul.f32 v39, v1;
	v1 =	vld [tilespmem:$0x1FFD0];
	[tilespmem:v29+s31+$0x70 ss:$0x1] =	vst.idx.msk $0xffff, v53  }
0x178: {  	v11 =	vadd.f32 v11, v36;
	[tilespmem:v29+s31+$0x80 ss:$0x1] =	vst.idx.msk $0xffff, v9  }
0x179: {  	v49 =	vmul.f32 v34, v45;
	v8 =	vadd.f32 v8, v37;
	v25 =	vld [tilespmem:$0x1FFE0];
	[tilespmem:v29+s31+$0x90 ss:$0x1] =	vst.idx.msk $0xffff, v10  }
0x17a: {  	v51 =	vmul.f32 v32, v43;
	v53 =	vmul.f32 v15, v30;
	v26 =	vld [tilespmem:$0x1FFF0];
	[tilespmem:v29+s31+$0xA0 ss:$0x1] =	vst.idx.msk $0xffff, v11  }
0x17b: {  	[tilespmem:v29+s31+$0xB0 ss:$0x1] =	vst.idx.msk $0xffff, v8;
	v4 =	vsub.f32 v0, v49  }
0x17c: {  	v7 =	vsub.f32 v0, v51;
	v10 =	vsub.f32 v0, v53;
	v0 =	vld [tilespmem:$0x1FEE0];
	_ =	sdelay $0x3  }
0x17d: {  	v23 =	vld [tilespmem:$0x1FEC0]  }
0x17e: {  	v57 =	vmul.f32 v40, v0;
	v0 =	vld [tilespmem:$0x1FEF0];
	_ =	sdelay $0x3  }
0x17f: {  	v24 =	vld [tilespmem:$0x1FEB0]  }
0x180: {  	v23 =	vmul.f32 v34, v23;
	v58 =	vmul.f32 v41, v0;
	v0 =	vld [tilespmem:$0x1FF00];
	_ =	sdelay $0x1  }
0x181: {  	v4 =	vadd.f32 v4, v23  }
0x182: {  	v5 =	vmul.f32 v35, v45  }
0x183: {  	[tilespmem:v29+s28+$0x0 ss:$0x1] =	vst.idx.msk $0xffff, v4  }
0x184: {  	v5 =	vsub.f32 v1, v5;
	v24 =	vmul.f32 v35, v24;
	v59 =	vmul.f32 v32, v0;
	v0 =	vld [tilespmem:$0x1FF10];
	_ =	sdelay $0x1  }
0x185: {  	v5 =	vadd.f32 v5, v24  }
0x186: {  	v19 =	vmul.f32 v40, v45;
	v12 =	vmul.f32 v38, v16  }
0x187: {  	[tilespmem:v29+s28+$0x10 ss:$0x1] =	vst.idx.msk $0xffff, v5  }
0x188: {  	v52 =	vsub.f32 v25, v19;
	v4 =	vmul.f32 v12, v0;
	v0 =	vld [tilespmem:$0x1FF20]  }
0x189: {  	v50 =	vmul.f32 v41, v45  }
0x18a: {  	v9 =	vadd.f32 v52, v57  }
0x18b: {  	v20 =	vmul.f32 v12, v43;
	v6 =	vsub.f32 v26, v50  }
0x18c: {  	[tilespmem:v29+s28+$0x20 ss:$0x1] =	vst.idx.msk $0xffff, v9  }
0x18d: {  	v20 =	vsub.f32 v1, v20;
	v6 =	vadd.f32 v6, v58;
	v5 =	vmul.f32 v13, v0;
	v0 =	vld [tilespmem:$0x1FF30]  }
0x18e: {  	v7 =	vadd.f32 v7, v59  }
0x18f: {  	v4 =	vadd.f32 v20, v4;
	[tilespmem:v29+s28+$0x30 ss:$0x1] =	vst.idx.msk $0xffff, v6  }
0x190: {  	v14 =	vmul.f32 v38, v18;
	v21 =	vmul.f32 v13, v43;
	[tilespmem:v29+s28+$0x40 ss:$0x1] =	vst.idx.msk $0xffff, v7  }
0x191: {  	[tilespmem:v29+s28+$0x50 ss:$0x1] =	vst.idx.msk $0xffff, v4  }
0x192: {  	v21 =	vsub.f32 v25, v21;
	v60 =	vmul.f32 v14, v0;
	v0 =	vld [tilespmem:$0x1FF40];
	_ =	sdelay $0x1  }
0x193: {  	v5 =	vadd.f32 v21, v5  }
0x194: {  	v16 =	vmul.f32 v39, v16  }
0x195: {  	v18 =	vmul.f32 v39, v18;
	v19 =	vmul.f32 v14, v43;
	[tilespmem:v29+s28+$0x60 ss:$0x1] =	vst.idx.msk $0xffff, v5  }
0x196: {  	v54 =	vmul.f32 v16, v30;
	v4 =	vmul.f32 v17, v0;
	v0 =	vld [tilespmem:$0x1FF50]  }
0x197: {  	v56 =	vmul.f32 v17, v30;
	v19 =	vsub.f32 v26, v19  }
0x198: {  	v22 =	vmul.f32 v18, v30;
	v61 =	vmul.f32 v15, v28;
	v8 =	vsub.f32 v1, v54  }
0x199: {  	v62 =	vmul.f32 v16, v27;
	v11 =	vsub.f32 v25, v56;
	v9 =	vadd.f32 v19, v60  }
0x19a: {  	v22 =	vsub.f32 v26, v22;
	v6 =	vadd.f32 v10, v61  }
0x19b: {  	v7 =	vadd.f32 v8, v62;
	[tilespmem:v29+s28+$0x70 ss:$0x1] =	vst.idx.msk $0xffff, v9;
	v5 =	vmul.f32 v18, v0  }
0x19c: {  	[tilespmem:v29+s28+$0x80 ss:$0x1] =	vst.idx.msk $0xffff, v6;
	v4 =	vadd.f32 v11, v4  }
0x19d: {  	[tilespmem:v29+s28+$0x90 ss:$0x1] =	vst.idx.msk $0xffff, v7;
	v5 =	vadd.f32 v22, v5  }
0x19e: {  	s2 =	sshll.u32 s24, $0xA;
	[tilespmem:v29+s28+$0xA0 ss:$0x1] =	vst.idx.msk $0xffff, v4  }
0x19f: {  	s4 =	sadd.s32 $0x4, s26;
	p0 =	sgt.u32 s24, $0x7C;
	s2 =	sadd.s32 s2, s8;
	[tilespmem:v29+s28+$0xB0 ss:$0x1] =	vst.idx.msk $0xffff, v5  }
0x1a0: {  	[hbm4b:s2+s3] =	stream.linear.scatter [tilespmem:s30], [sflag:s4], $0x2000, $0x38;
	[tilespmem:$0x16180] =	vst v63  }
0x1a1: {  	s2 =	sshll.u32 @!p0 s24, $0x7;
	_ =	swait.ge @!p0 [sflag:s4], $0x2000  }
0x1a2: {  	s24 =	sadd.s32 $0x1, s24;
	s2 =	sand.u32 @!p0 $0x3FFFFF80, s2;
	[sflag:s4] =	ssyncset.done @!p0 $0x0  }
0x1a3: {  	s2 =	sadd.s32 @!p0 $0x180, s2;
	[sflag:s4] =	ssyncadd.s32 @!p0 $0xFFFFE000;
	s4 =	simm.s32 @!p0 $0x80  }
0x1a4: {  	[tilespmem:s29], [sflag:s25] =	stream.indirect.gather @!p0 [hbm4b:s5+s4], $0x80, s2, s4, $0xb8;
	[tilespmem:$0x16180] =	vst v63  }
0x1a5: {  	p0 =	sne.s32 s24, $0x80  }
.Ltmp1:
0x1a6: {  	_ = 	snop;
	(pc) =	sbr.rel @p0 .LBB2_2-.Ltmp1, $2  }
0x1a7: {  	_ =	sdelay $0x2  }
0x1a8: {  	s23 =	sadd.s32 $0x2000, s23;
	s22 =	sadd.s32 $0x4000, s22;
	v15 =	vmovc v55;
	v16 =	vmov v2;
	v2 =	vmov v3;
	v3 =	vmov v63  }
0x1a9: {  	_ =	swait.ge [sflag:s18], $0x2000  }
0x1aa: {  	[sflag:s18] =	ssyncset.done $0x0  }
0x1ab: {  	s21 =	sadd.s32 $0x1, s21;
	[sflag:s18] =	ssyncadd.s32 $0xFFFFE000  }
0x1ac: {  	p0 =	sne.s32 s21, s9;
	_ =	swait.ge [sflag:s19], $0x2000  }
.Ltmp2:
0x1ad: {  	[sflag:s19] =	ssyncset.done $0x0;
	(pc) =	sbr.rel @p0 .LBB2_1-.Ltmp2, $4  }
0x1ae: {  	[sflag:s19] =	ssyncadd.s32 $0xFFFFE000  }
0x1af: {  	_ =	swait.ge [sflag:s20], $0x2000  }
0x1b0: {  	[sflag:s20] =	ssyncset.done $0x0  }
0x1b1: {  	[sflag:s20] =	ssyncadd.s32 $0xFFFFE000  }
0x1b2: {  	_ =	sfence.sel $0x180000  }
0x1b3: {  	[bflag:$0x0] =	sbarrier.arrive $0xFFFF  }
0x1b4: {  	_ =	strace $0x90000047  }
0x1b5: {  	s0 =	stileid.u32;
	[bflag:$0x2] =	sbarrier.arrive $0xFFFF  }
0x1b6: {  	p0 =	sne.s32 s0, $0x0;
	s0 =	rddreg [dreg:$0x4]  }
0x1b7: {  	s0 =	sadd.s32 @!p0 $0x100000, s0  }
0x1b8: {  	[sflag:s0] =	ssyncadd.tile.s32 @!p0 $0x1;
	_ =	shalt  }
.Lfunc_end2:
_tile_overlayer_lowered:
.L_overlay_start_2:
0x1b9: {  	(tag) =	ssettag $0x2  }
0x1ba: {  	s0 =	rddreg [dreg:$0x0];
	s2 =	stileid.u32  }
0x1bb: {  	s1 =	rddreg [dreg:$0x1];
	p0 =	sne.s32 s2, $0x0  }
0x1bc: {  	s3 =	rddreg [dreg:$0x2];
	[bflag:$0x3] =	sbarrier.arrive $0xFFFF;
	s2 =	simm.s32 @!p0 $0x1C07  }
0x1bd: {  	[timem:s3], [sflag:s2] =	dma.local @!p0 [hbm:s0], s1  }
0x1be: {  	s0 =	simm.s32 @!p0 $0x7  }
0x1bf: {  	_ =	swait.ge @!p0 [sflag:s0], s1  }
0x1c0: {  	s1 =	ssub.s32 @!p0 $0x0, s1;
	[sflag:s0] =	ssyncset.done @!p0 $0x0  }
0x1c1: {  	[sflag:s0] =	ssyncadd.s32 @!p0 s1  }
0x1c2: {  	[bflag:$0x3] =	sbarrier.arrive $0xFFFF  }
0x1c3: {  	_ =	shalt  }

// kernel: sparse-core-data-format-call.cloned.1.call-start
scs
called_computation_lowered:
.L_overlay_start_0:
0x0: {  	s2 =	sld [smem:$0x3FD9]  }
0x1: {  	s3 =	sld [smem:$0x3FFE];
	_ =	sdelay $0x1  }
0x2: {  	s1 =	srdreg.scid  }
0x3: {  	s0 =	sand.u32 $0x1, s1  }
0x4: {  	s18 =	sshll.u32 s0, $0xA;
	s2 =	sadd.s32 s3, s2  }
0x5: {  	s2 =	sadd.s32 s2, s18  }
0x6: {  	[smem:$0x3FC3] =	sst s2  }
0x7: {  	_ = 	snop  }
0x8: {  	s2 =	sld [smem:$0x3FD0];
	(tm) =	ssettm $0x1  }
0x9: {  	s19 =	sld [smem:$0x3FFB];
	_ =	sdelay $0x3  }
0xa: {  	_ =	strace s19  }
0xb: {  	s3 =	sld [smem:$0x3FFC];
	_ =	sdelay $0x3  }
0xc: {  	_ =	strace s3  }
0xd: {  	s3 =	sld [smem:$0x3FFD];
	_ =	sdelay $0x3  }
0xe: {  	_ =	strace s3  }
0xf: {  	_ =	strace $0x8FFFFFFF  }
0x10: {  	s20 =	sld [smem:$0x3FDB];
	_ =	sdelay $0x1  }
0x11: {  	s4 =	simm.s32 $_scs_section_size  }
0x12: {  	s5 =	simm.s32 $_size__tile_overlayer_lowered;
	s6 =	simm.s32 $_tile_overlayer_lowered  }
0x13: {  	s23 =	simm.s32 $0x1BFF;
	s22 =	sshll.u32 s6, $0x1;
	s3 =	sadd.s32 s4, s20  }
0x14: {  	s7 =	simm.s32 $0x0;
	s21 =	sshll.u32 s5, $0x1;
	s5 =	sadd.s32 s22, s3  }
0x15: {  	[timem:s7], [sflag:s23] =	dma.local [hbm:s5], s21  }
0x16: {  	_ =	swait.ge [sflag:s23], s21  }
0x17: {  	s4 =	ssub.s32 $0x0, s21;
	[sflag:s23] =	ssyncset.done $0x0  }
0x18: {  	[sflag:s23] =	ssyncadd.s32 s4;
	_ =	sdelay $0x1  }
0x19: {  	s24 =	simm.s32 $0x1B8B  }
0x1a: {  	_ =	swait.ge [sflag:s24], $0x1  }
0x1b: {  	[sflag:s24] =	ssyncset.done $0x0  }
0x1c: {  	s26 =	simm.s32 $0x1B8E;
	s25 =	sld [smem:$0x3FFE];
	[sflag:s24] =	ssyncadd.s32 $0xFFFFFFFF  }
0x1d: {  	s27 =	simm.s32 $execute0_lowered;
	[smem:$0x3FD2] =	sst s26  }
0x1e: {  	s5 =	sshll.u32 s27, $0x1;
	_ =	strace $0x80000049;
	[dreg:$0x1] =	wrdreg $0xFFFFFFFF  }
0x1f: {  	s28 =	simm.s32 $_size_execute0_lowered;
	s3 =	sadd.s32 s3, s5;
	[dreg:$0x0] =	wrdreg $0x0  }
0x20: {  	s5 =	sshll.u32 s28, $0x1;
	[dreg:$0x2] =	wrdreg s3  }
0x21: {  	[dreg:$0x3] =	wrdreg s5  }
0x22: {  	[dreg:$0x4] =	wrdreg $0xC0  }
0x23: {  	_ =	task [dreg:s7], $0x5FFFF  }
0x24: {  	[dreg:$0x1] =	wrdreg $0xFFFFFFFF  }
0x25: {  	[dreg:$0x0] =	wrdreg $0x60  }
0x26: {  	[dreg:$0x2] =	wrdreg s25  }
0x27: {  	[dreg:$0x3] =	wrdreg s2  }
0x28: {  	[dreg:$0x4] =	wrdreg $0x9  }
0x29: {  	_ =	task.clear_ibuf [dreg:s7], $0x5FFFF;
	_ =	strace $0x90000049  }
0x2a: {  	s29 =	simm.s32 $0x9;
	_ =	strace $0x8000004B  }
0x2b: {  	_ =	swait.ge [sflag:s29], $0x1  }
0x2c: {  	[sflag:s29] =	ssyncadd.s32 $0xFFFFFFFF  }
0x2d: {  	_ =	strace $0x9000004B  }
0x2e: {  	_ =	sfence  }
0x2f: {  	s30 =	sld [smem:$0x0];
	_ =	sdelay $0x2  }
0x30: {  	s31 =	sshll.u32 s1, $0xD;
	s1 =	sshrl.u32 s1, $0x2  }
0x31: {  	s3 =	sand.u32 $0x4000, s31;
	s1 =	sadd.s32 s1, s30  }
0x32: {  	s0 =	sor.u32 s3, s0;
	s1 =	sshll.u32 s1, $0x11  }
0x33: {  	s0 =	sor.u32 s1, s0  }
0x34: {  	s0 =	sadd.s32 $0x8F2B, s0  }
0x35: {  	[sflag:s0] =	ssyncadd.remote.s32 $0x1  }
0x36: {  	_ =	sfence.sel $0xFFFF  }
0x37: {  	[dreg:$0x0] =	wrdreg $0xFFFFFFFF;
	(pc) =	sbr.abs _section_cstart, $3  }
0x38: {  	[dreg:$0x1] =	wrdreg $0xFFFFFFFF  }
0x39: {  	_ =	task.clear_ibuf [dreg:s7], $0x2FFFF;
	_ =	strace $0x9FFFFFFF  }
0x3a: {  	(tm) =	ssettm $0x7FFFFFFF  }
0x3b: {  	_ =	shalt  }
tec
execute0_lowered:
.L_overlay_start_1:
0x0: {  	(tag) =	ssettag $0x1  }
0x1: {  	s0 =	srdreg.scid  }
0x2: {  	s7 =	rddreg [dreg:$0x0];
	s1 =	sshll.u32 s0, $0x4  }
0x3: {  	s3 =	rddreg [dreg:$0x1];
	s0 =	stileid.u32;
	s1 =	sand.u32 $0x10, s1  }
0x4: {  	s6 =	simm.s32 $0x1;
	s31 =	simm.s32 $0x2;
	s1 =	sor.u32 s0, s1  }
0x5: {  	s13 =	simm.s32 $0x0;
	s9 =	simm.s32 $0x8000;
	s2 =	sshll.u32 s1, $0x1  }
0x6: {  	s14 =	simm.s32 $0x0;
	s10 =	simm.s32 $0x0;
	s4 =	ssub.s32 $0x80, s2  }
0x7: {  	s12 =	simm.s32 $0x0;
	s1 =	rddreg [dreg:$0x2];
	s5 =	sand.u32 $0x3E, s4  }
.Ltmp0:
0x8: {  	_ =	strace $0x8000004A;
	p0 =	sne.s32 s5, $0x0;
	(pc) =	sbr.rel .LBB1_1-.Ltmp0, $4  }
0x9: {  	s11 =	smov.u32 s2;
	s8 =	sshrl.u32 s4, $0x6;
	s6 =	simm.s32 @!p0 $0x0  }
0xa: {  	s4 =	sadd.s32 $0xC00, s7;
	s5 =	simm.s32 $0x1;
	s6 =	sadd.s32 s6, s8  }
0xb: {  	s7 =	sadd.s32 $0x10C00, s7;
	[sflag:s5] =	ssyncpa.u1 $0x0;
	s6 =	sshll.u32 s6, $0x5  }
0xc: {  	p0 =	por $0x0, $0x0;
	[sflag:s31] =	ssyncpa.u1 $0x0;
	s8 =	sor.u32 $0x1, s6  }
.LBB1_7:
0xd: {  	s15 =	sadd.s32 $0x80, s10  }
0xe: {  	s13 =	sadd.s32 $0x40, s11;
	s17 =	smov.u32 s11;
	p2 =	sgt.s32 s15, $0xFFF  }
0xf: {  	s17 =	smov.u32 @p2 s13  }
0x10: {  	s15 =	simm.s32 @p2 $0x0;
	p2 =	sgt.s32 s17, $0x7F  }
0x11: {  	s17 =	smov.u32 @p2 s2;
	p2 =	sne.s32 s12, s8  }
.Ltmp1:
0x12: {  	p1 =	slt.u32 s12, $0x2;
	(pc) =	sbr.rel @!p2 .LBB1_8-.Ltmp1, $4  }
0x13: {  	s16 =	simm.s32 @!p1 $0x2  }
0x14: {  	s14 =	smov.u32 s11;
	p0 =	por !p0, !p0;
	_ =	swait.ge @!p1 [sflag:s16], $0x4000  }
0x15: {  	s13 =	smov.u32 s10;
	[sflag:s16] =	ssyncset.done @!p1 $0x0;
	s10 =	smov.u32 s15  }
0x16: {  	s12 =	sadd.s32 $0x1, s12;
	[sflag:s16] =	ssyncadd.s32 @!p1 $0xFFFFC000;
	s11 =	smov.u32 s17  }
.LBB1_1:
0x17: {  	p1 =	sge.u32 s12, s6  }
0x18: {  	s15 =	sxor.u32 @!p1 $0xFFFFFFFF, s12;
	s16 =	sshll.u32 @!p1 s11, $0x10  }
0x19: {  	s17 =	sshll.u32 @!p1 s10, $0x4;
	s19 =	simm.s32 @!p1 $0x40;
	s20 =	simm.s32 @!p1 $0x80  }
0x1a: {  	s15 =	sshll.u32 @!p1 s15, $0xE;
	s17 =	sand.u32 @!p1 $0xFFF0, s17;
	s18 =	sadd.s32 @!p1 s4, s16  }
0x1b: {  	s16 =	sadd.s32 @!p1 s16, s7;
	s15 =	sand.u32 @!p1 $0x4000, s15;
	s18 =	sadd.s32 @!p1 s17, s18  }
0x1c: {  	[tilespmem:s15], [sflag:$0x1] =	stream.strided.gather @!p1 [hbm4b:s18+s19], $0x2000, s20, s19, $0x38;
	[tilespmem:$0x10100] =	vst v63  }
0x1d: {  	s31 =	sadd.s32 $0xFFFFFFFF, s12;
	s16 =	sadd.s32 @!p1 s17, s16;
	s15 =	sor.u32 @!p1 $0x2000, s15  }
0x1e: {  	[tilespmem:s15], [sflag:$0x1] =	stream.strided.gather @!p1 [hbm4b:s16+s19], $0x2000, s20, s19, $0x38;
	[tilespmem:$0x10100] =	vst v63  }
0x1f: {  	p1 =	sge.u32 s31, s6  }
.Ltmp2:
0x20: {  	_ = 	snop;
	(pc) =	sbr.rel @p1 .LBB1_7-.Ltmp2, $1  }
0x21: {  	_ =	sdelay $0x3  }
0x22: {  	s15 =	simm.s32 $0x1;
	s17 =	sand.u32 $0x1, s12  }
0x23: {  	_ =	swait.ge [sflag:s5], $0x4000;
	s15 =	simm.s32 @!p0 $0x0;
	s17 =	smul.u32 $0x10200, s17  }
0x24: {  	p2 =	por $0x1, $0x1;
	[sflag:s5] =	ssyncset.done $0x0;
	s16 =	smul.u32 $0x10200, s15  }
0x25: {  	s18 =	sshll.u32 s15, $0x10;
	[sflag:s5] =	ssyncadd.s32 $0xFFFFC000;
	s30 =	sshrl.u32 s17, $0x2  }
0x26: {  	s31 =	sshrl.u32 s18, $0x2;
	s18 =	simm.s32 $0x0;
	s16 =	sshrl.u32 s16, $0x2  }
0x27: {  	s15 =	sor.u32 $0x8000, s30;
	s17 =	sadd.s32 $0x20, s31;
	s16 =	sor.u32 $0x8000, s16  }
.LBB1_3:
0x28: {  	s19 =	sshll.u32 s18, $0xD  }
0x29: {  	s19 =	sand.u32 $0x3FFFE000, s19  }
0x2a: {  	s21 =	sadd.s32 s19, s17  }
0x2b: {  	s31 =	smul.u32 $0x8100, s18;
	v3 =	vld [tilespmem:s21+$0x10]  }
0x2c: {  	v1 =	vld [tilespmem:s21+$0xFFFFFFF0]  }
0x2d: {  	s18 =	sshra.s32 s31, $0x2;
	v0 =	vld [tilespmem:s21+$0x0]  }
0x2e: {  	s18 =	sadd.s32 s18, s16;
	v2 =	vld [tilespmem:s21+$0xFFFFFFE0]  }
0x2f: {  	s19 =	sadd.s32 $0x0, s18  }
0x30: {  	p1 =	por p2, p2;
	s20 =	simm.s32 $0x4;
	s21 =	sadd.s32 $0x40, s21;
	[tilespmem:s19+$0x1830 ss:$0x81] =	vst.msk $0xffff, v3  }
.LBB1_4:
0x31: {  	v3 =	vld [tilespmem:s21+$0x10];
	p2 =	sne.s32 s20, $0x1FC;
	[tilespmem:s19+$0x810 ss:$0x81] =	vst.msk $0xffff, v1;
	s22 =	smov.u32 s20;
	s20 =	sadd.s32 $0x4, s20  }
.Ltmp3:
0x32: {  	v1 =	vld [tilespmem:s21+$0xFFFFFFF0];
	[tilespmem:s19+$0x1020 ss:$0x81] =	vst.msk $0xffff, v0;
	(pc) =	sbr.rel @p2 .LBB1_4-.Ltmp3, $4  }
0x33: {  	v0 =	vld [tilespmem:s21+$0x0];
	[tilespmem:s19+$0x0 ss:$0x81] =	vst.msk $0xffff, v2  }
0x34: {  	s19 =	sshra.s32 s22, $0x2;
	v2 =	vld [tilespmem:s21+$0xFFFFFFE0]  }
0x35: {  	s19 =	sadd.s32 s19, s18  }
0x36: {  	s21 =	sadd.s32 $0x40, s21;
	[tilespmem:s19+$0x1830 ss:$0x81] =	vst.msk $0xffff, v3  }
.Ltmp4:
0x37: {  	(pc) =	sbr.rel @p1 .LBB1_3-.Ltmp4, $4  }
0x38: {  	_ = 	snop  }
0x39: {  	[tilespmem:s19+$0x810 ss:$0x81] =	vst.msk $0xffff, v1  }
0x3a: {  	[tilespmem:s19+$0x1020 ss:$0x81] =	vst.msk $0xffff, v0  }
0x3b: {  	s18 =	simm.s32 $0x1;
	p2 =	por $0x0, $0x0;
	[tilespmem:s19+$0x0 ss:$0x81] =	vst.msk $0xffff, v2  }
0x3c: {  	s16 =	sshll.u32 s13, $0x3;
	s17 =	sand.u32 $0x78, s13;
	s14 =	sshll.u32 s14, $0xF  }
.Ltmp5:
0x3d: {  	s30 =	sand.u32 $0x7E00, s13;
	s16 =	sand.u32 $0xC00, s16;
	(pc) =	sbr.rel .LBB1_7-.Ltmp5, $4  }
0x3e: {  	s31 =	sand.u32 $0x7, s13;
	s14 =	sadd.s32 s3, s14;
	s16 =	sor.u32 s17, s16  }
0x3f: {  	s13 =	sshll.u32 s31, $0x12;
	s14 =	sadd.s32 s30, s14;
	s16 =	sshrl.u32 s16, $0x3  }
0x40: {  	s13 =	sor.u32 $0x400, s13;
	s14 =	sadd.s32 s16, s14  }
0x41: {  	[hbm4b:s14+s13] =	stream.strided.scatter [tilespmem:s15], [sflag:$0x2], $0x4000, s9, s13, $0x20;
	[tilespmem:$0x10100] =	vst v63  }
.LBB1_8:
0x42: {  	_ =	sfence.sel $0x180000  }
0x43: {  	s2 =	simm.s32 $0x1;
	[bflag:$0x0] =	sbarrier.arrive $0xFFFF  }
0x44: {  	s31 =	simm.s32 $0x2;
	[sflag:s2] =	ssyncpa.u1 $0x1  }
0x45: {  	[sflag:s31] =	ssyncpa.u1 $0x1  }
0x46: {  	p0 =	sne.s32 s0, $0x0;
	_ =	strace $0x9000004A  }
0x47: {  	s0 =	sadd.s32 @!p0 $0x100000, s1;
	[bflag:$0x2] =	sbarrier.arrive $0xFFFF  }
0x48: {  	[sflag:s0] =	ssyncadd.tile.s32 @!p0 $0x1;
	_ =	shalt  }
.Lfunc_end1:
_tile_overlayer_lowered:
.L_overlay_start_2:
0x49: {  	(tag) =	ssettag $0x2  }
0x4a: {  	s0 =	rddreg [dreg:$0x0];
	s2 =	stileid.u32  }
0x4b: {  	s1 =	rddreg [dreg:$0x1];
	p0 =	sne.s32 s2, $0x0  }
0x4c: {  	s3 =	rddreg [dreg:$0x2];
	[bflag:$0x3] =	sbarrier.arrive $0xFFFF;
	s2 =	simm.s32 @!p0 $0x1C01  }
0x4d: {  	[timem:s3], [sflag:s2] =	dma.local @!p0 [hbm:s0], s1  }
0x4e: {  	s0 =	simm.s32 @!p0 $0x1  }
0x4f: {  	_ =	swait.ge @!p0 [sflag:s0], s1  }
0x50: {  	s1 =	ssub.s32 @!p0 $0x0, s1;
	[sflag:s0] =	ssyncset.done @!p0 $0x0  }
0x51: {  	[sflag:s0] =	ssyncadd.s32 @!p0 s1  }
0x52: {  	[bflag:$0x3] =	sbarrier.arrive $0xFFFF  }
0x53: {  	_ =	shalt  }

</sc_bundles>
